<compile_context>
chip_gen: v7x
topology: tpu7x:2x2x1
jax: 0.10.2.dev20260603
libtpu: 0.0.44.dev20260713+nightly
codegen_flags: <defaults>
</compile_context>

<pallas_src>
import functools

import jax
import jax.numpy as jnp
from jax import lax
from jax.experimental import pallas as pl
from jax.experimental.pallas import tpu as pltpu
from jax.experimental.pallas import tpu_sc as plsc

BATCH = 16384
FIELDS = 26
EMBED = 32
TOTAL = BATCH * FIELDS
NC = 2
NS = 16
NW = NC * NS
B_PER_W = TOTAL // NW
CHUNK = 1024
NCHUNK = B_PER_W // CHUNK
NBUF = 3


def _gather_body(idx_hbm, table_hbm, out_hbm, idx_v, rows_v, *sems):
    gsems = sems[:NBUF]
    osems = sems[NBUF:]
    wid = lax.axis_index("s") * NC + lax.axis_index("c")
    base = wid * B_PER_W

    pltpu.sync_copy(idx_hbm.at[pl.ds(base, B_PER_W)], idx_v)

    def start_gather(g):
        b = g % NBUF
        return pltpu.async_copy(
            table_hbm.at[idx_v.at[pl.ds(g * CHUNK, CHUNK)]],
            rows_v.at[b], gsems[b])

    gds = [None] * NCHUNK
    ods = [None] * NCHUNK
    for g in range(min(NBUF, NCHUNK)):
        gds[g] = start_gather(g)
    for g in range(NCHUNK):
        b = g % NBUF
        gds[g].wait()
        ods[g] = pltpu.async_copy(
            rows_v.at[b],
            out_hbm.at[pl.ds(base + g * CHUNK, CHUNK)],
            osems[b])
        nxt = g + NBUF
        if nxt < NCHUNK:
            ods[g].wait()
            gds[nxt] = start_gather(nxt)
    for g in range(max(NCHUNK - NBUF, 0), NCHUNK):
        ods[g].wait()


def kernel(x, emb_weight):
    idx = x.astype(jnp.int32).reshape(TOTAL)
    mesh = plsc.VectorSubcoreMesh(core_axis_name="c", subcore_axis_name="s")
    gather = functools.partial(
        pl.kernel,
        out_type=jax.ShapeDtypeStruct((TOTAL, EMBED), jnp.float32),
        mesh=mesh,
        scratch_types=[
            pltpu.VMEM((B_PER_W,), jnp.int32),
            pltpu.VMEM((NBUF, CHUNK, EMBED), jnp.float32),
        ] + [pltpu.SemaphoreType.DMA] * (2 * NBUF),
        compiler_params=pltpu.CompilerParams(use_tc_tiling_on_sc=False),
    )(_gather_body)
    out = gather(idx, emb_weight)
    return out.reshape(BATCH, FIELDS, EMBED)

# --- scband reference (transcript-rebuilt; emitter-appended) ---
"""Pipeline reference for scband-categorical-embedding-10582799417835 (READ-ONLY COPY).

The authoritative reference and input builder live on the scoring server;
editing this copy changes nothing except your own understanding.
"""

import jax, jax.numpy as jnp
import numpy as np

INPUT_SIZE = 1000000
EMBED_SIZE = 32
MIN_VALUE = 0
BATCH = 16384
FIELDS = 26


def setup_inputs(seed: int = 0) -> dict:
    key = jax.random.key(seed)
    k1, k2 = jax.random.split(key)
    x = jax.random.randint(k1, (BATCH, FIELDS), 0, INPUT_SIZE, dtype=jnp.int64 if jax.config.jax_enable_x64 else jnp.int32)
    # embedding table (learned parameter), init like nn.Embedding: N(0, 1)
    emb_weight = jax.random.normal(k2, (INPUT_SIZE, EMBED_SIZE), dtype=jnp.float32)
    return {"x": x, "emb_weight": emb_weight}


def reference(x, emb_weight):
    # torch: self.emb(torch.squeeze(x, -1).to(torch.long) - self.min_value)
    # squeeze(-1) is a no-op here since last dim = FIELDS (26) != 1
    idx = jnp.squeeze(x, axis=-1) if x.shape[-1] == 1 else x
    idx = idx.astype(jnp.int32) - MIN_VALUE
    return jnp.take(emb_weight, idx, axis=0)

if __name__ == "__main__":
    import jax
    _d = setup_inputs()
    print(jax.jit(kernel)(*tuple(_d.values())))

</pallas_src>

<mosaic_0001>
#map = affine_map<(d0, d1) -> (0)>
#map1 = affine_map<(d0, d1) -> (0, 0)>
module attributes {stable_mosaic.version = 14 : i64} {
  func.func @_gather_body(%arg0: i32, %arg1: i32, %arg2: memref<425984xi32, #tpu.memory_space<hbm>>, %arg3: memref<1000000x32xf32, #tpu.memory_space<hbm>>, %arg4: memref<425984x32xf32, #tpu.memory_space<hbm>>, %arg5: memref<13312xi32, #tpu.memory_space<vmem>>, %arg6: memref<3x1024x32xf32, #tpu.memory_space<vmem>>, %arg7: memref<!tpu.dma_semaphore, #tpu.memory_space<semaphore_mem>>, %arg8: memref<!tpu.dma_semaphore, #tpu.memory_space<semaphore_mem>>, %arg9: memref<!tpu.dma_semaphore, #tpu.memory_space<semaphore_mem>>, %arg10: memref<!tpu.dma_semaphore, #tpu.memory_space<semaphore_mem>>, %arg11: memref<!tpu.dma_semaphore, #tpu.memory_space<semaphore_mem>>, %arg12: memref<!tpu.dma_semaphore, #tpu.memory_space<semaphore_mem>>) attributes {dimension_semantics = [#tpu.dimension_semantics<core_parallel>, #tpu.dimension_semantics<subcore_parallel>], iteration_bounds = array<i64: 2, 16>, scalar_prefetch = 0 : i64, scratch_operands = 8 : i64, tpu.core_type = #tpu.core_type<sc_vector_subcore>, window_params = [{transform_indices = #map}, {transform_indices = #map1}, {transform_indices = #map1}]} {
    %mul3A = arith.constant 2 : i32
    %mul3A_0 = arith.muli %arg1, %mul3A : i32
    %add3A = arith.addi %mul3A_0, %arg0 : i32
    %mul3A_1 = arith.constant 13312 : i32
    %mul3A_2 = arith.muli %add3A, %mul3A_1 : i32
    "tpu.region"() ({
      %run_scoped3A = tpu.sem_alloc : memref<!tpu.dma_semaphore, #tpu.memory_space<semaphore_mem>>
      %dma_start3A_625 = tpu.memref_slice %arg2[%mul3A_2] : memref<425984xi32, #tpu.memory_space<hbm>> -> memref<13312xi32, #tpu.memory_space<hbm>>
      %dma_start3A_626 = tpu.memref_slice %arg2[%mul3A_2] : memref<425984xi32, #tpu.memory_space<hbm>> -> memref<13312xi32, #tpu.memory_space<hbm>>
      tpu.enqueue_dma source(%dma_start3A_626 : memref<13312xi32, #tpu.memory_space<hbm>>) target(%arg5 : memref<13312xi32, #tpu.memory_space<vmem>>) target_semaphore(%run_scoped3A : memref<!tpu.dma_semaphore, #tpu.memory_space<semaphore_mem>>)
      %dma_wait3A_627 = tpu.memref_slice %arg2[%mul3A_2] : memref<425984xi32, #tpu.memory_space<hbm>> -> memref<13312xi32, #tpu.memory_space<hbm>>
      %dma_wait3A_628 = tpu.memref_slice %arg2[%mul3A_2] : memref<425984xi32, #tpu.memory_space<hbm>> -> memref<13312xi32, #tpu.memory_space<hbm>>
      tpu.wait_dma2 semaphore(%run_scoped3A : memref<!tpu.dma_semaphore, #tpu.memory_space<semaphore_mem>>) src(%dma_wait3A_628 : memref<13312xi32, #tpu.memory_space<hbm>>) dst(%arg5 : memref<13312xi32, #tpu.memory_space<vmem>>)
      tpu.yield
    }) : () -> ()
    %dma_start3A = arith.constant 0 : i32
    %dma_start3A_3 = arith.constant 0 : i32
    %dma_start3A_4 = arith.constant 0 : i32
    %dma_start3A_5 = tpu.memref_slice %arg6[%dma_start3A, %dma_start3A_3, %dma_start3A_4] : memref<3x1024x32xf32, #tpu.memory_space<vmem>> -> memref<1x1024x32xf32, #tpu.memory_space<vmem>>
    %dma_start3A_6 = tpu.memref_squeeze %dma_start3A_5 : memref<1x1024x32xf32, #tpu.memory_space<vmem>> -> memref<1024x32xf32, #tpu.memory_space<vmem>>
    %dma_start3A_7 = arith.constant 0 : i32
    %dma_start3A_8 = tpu.memref_slice %arg5[%dma_start3A_7] : memref<13312xi32, #tpu.memory_space<vmem>> -> memref<1024xi32, #tpu.memory_space<vmem>>
    %dma_start3A_9 = arith.constant 0 : i32
    %dma_start3A_10 = arith.constant 0 : i32
    %dma_start3A_11 = tpu.memref_slice %arg3[%dma_start3A_9, %dma_start3A_10] : memref<1000000x32xf32, #tpu.memory_space<hbm>> -> memref<1000000x32xf32, #tpu.memory_space<hbm>>
    tpu.enqueue_indirect_dma source(%dma_start3A_11 : memref<1000000x32xf32, #tpu.memory_space<hbm>>) target(%dma_start3A_6 : memref<1024x32xf32, #tpu.memory_space<vmem>>) offsets(%dma_start3A_8 : memref<1024xi32, #tpu.memory_space<vmem>>) semaphore(%arg7 : memref<!tpu.dma_semaphore, #tpu.memory_space<semaphore_mem>>)
    %dma_start3A_12 = arith.constant 1 : i32
    %dma_start3A_13 = arith.constant 0 : i32
    %dma_start3A_14 = arith.constant 0 : i32
    %dma_start3A_15 = tpu.memref_slice %arg6[%dma_start3A_12, %dma_start3A_13, %dma_start3A_14] : memref<3x1024x32xf32, #tpu.memory_space<vmem>> -> memref<1x1024x32xf32, #tpu.memory_space<vmem>>
    %dma_start3A_16 = tpu.memref_squeeze %dma_start3A_15 : memref<1x1024x32xf32, #tpu.memory_space<vmem>> -> memref<1024x32xf32, #tpu.memory_space<vmem>>
    %dma_start3A_17 = arith.constant 1024 : i32
    %dma_start3A_18 = tpu.memref_slice %arg5[%dma_start3A_17] : memref<13312xi32, #tpu.memory_space<vmem>> -> memref<1024xi32, #tpu.memory_space<vmem>>
    %dma_start3A_19 = arith.constant 0 : i32
    %dma_start3A_20 = arith.constant 0 : i32
    %dma_start3A_21 = tpu.memref_slice %arg3[%dma_start3A_19, %dma_start3A_20] : memref<1000000x32xf32, #tpu.memory_space<hbm>> -> memref<1000000x32xf32, #tpu.memory_space<hbm>>
    tpu.enqueue_indirect_dma source(%dma_start3A_21 : memref<1000000x32xf32, #tpu.memory_space<hbm>>) target(%dma_start3A_16 : memref<1024x32xf32, #tpu.memory_space<vmem>>) offsets(%dma_start3A_18 : memref<1024xi32, #tpu.memory_space<vmem>>) semaphore(%arg8 : memref<!tpu.dma_semaphore, #tpu.memory_space<semaphore_mem>>)
    %dma_start3A_22 = arith.constant 2 : i32
    %dma_start3A_23 = arith.constant 0 : i32
    %dma_start3A_24 = arith.constant 0 : i32
    %dma_start3A_25 = tpu.memref_slice %arg6[%dma_start3A_22, %dma_start3A_23, %dma_start3A_24] : memref<3x1024x32xf32, #tpu.memory_space<vmem>> -> memref<1x1024x32xf32, #tpu.memory_space<vmem>>
    %dma_start3A_26 = tpu.memref_squeeze %dma_start3A_25 : memref<1x1024x32xf32, #tpu.memory_space<vmem>> -> memref<1024x32xf32, #tpu.memory_space<vmem>>
    %dma_start3A_27 = arith.constant 2048 : i32
    %dma_start3A_28 = tpu.memref_slice %arg5[%dma_start3A_27] : memref<13312xi32, #tpu.memory_space<vmem>> -> memref<1024xi32, #tpu.memory_space<vmem>>
    %dma_start3A_29 = arith.constant 0 : i32
    %dma_start3A_30 = arith.constant 0 : i32
    %dma_start3A_31 = tpu.memref_slice %arg3[%dma_start3A_29, %dma_start3A_30] : memref<1000000x32xf32, #tpu.memory_space<hbm>> -> memref<1000000x32xf32, #tpu.memory_space<hbm>>
    tpu.enqueue_indirect_dma source(%dma_start3A_31 : memref<1000000x32xf32, #tpu.memory_space<hbm>>) target(%dma_start3A_26 : memref<1024x32xf32, #tpu.memory_space<vmem>>) offsets(%dma_start3A_28 : memref<1024xi32, #tpu.memory_space<vmem>>) semaphore(%arg9 : memref<!tpu.dma_semaphore, #tpu.memory_space<semaphore_mem>>)
    %dma_wait3A = arith.constant 0 : i32
    %dma_wait3A_32 = arith.constant 0 : i32
    %dma_wait3A_33 = arith.constant 0 : i32
    %dma_wait3A_34 = tpu.memref_slice %arg6[%dma_wait3A, %dma_wait3A_32, %dma_wait3A_33] : memref<3x1024x32xf32, #tpu.memory_space<vmem>> -> memref<1x1024x32xf32, #tpu.memory_space<vmem>>
    %dma_wait3A_35 = tpu.memref_squeeze %dma_wait3A_34 : memref<1x1024x32xf32, #tpu.memory_space<vmem>> -> memref<1024x32xf32, #tpu.memory_space<vmem>>
    %dma_wait3A_36 = arith.constant 0 : i32
    %dma_wait3A_37 = tpu.memref_slice %arg5[%dma_wait3A_36] : memref<13312xi32, #tpu.memory_space<vmem>> -> memref<1024xi32, #tpu.memory_space<vmem>>
    %dma_wait3A_38 = arith.constant 0 : i32
    %dma_wait3A_39 = arith.constant 0 : i32
    %dma_wait3A_40 = tpu.memref_slice %arg3[%dma_wait3A_38, %dma_wait3A_39] : memref<1000000x32xf32, #tpu.memory_space<hbm>> -> memref<1000000x32xf32, #tpu.memory_space<hbm>>
    tpu.wait_indirect_dma semaphore(%arg7 : memref<!tpu.dma_semaphore, #tpu.memory_space<semaphore_mem>>) src(%dma_wait3A_40 : memref<1000000x32xf32, #tpu.memory_space<hbm>>) dst(%dma_wait3A_35 : memref<1024x32xf32, #tpu.memory_space<vmem>>)
    %add3A_41 = arith.constant 0 : i32
    %add3A_42 = arith.addi %mul3A_2, %add3A_41 : i32
    %dma_start3A_43 = arith.constant 0 : i32
    %dma_start3A_44 = arith.constant 0 : i32
    %dma_start3A_45 = arith.constant 0 : i32
    %dma_start3A_46 = tpu.memref_slice %arg6[%dma_start3A_43, %dma_start3A_44, %dma_start3A_45] : memref<3x1024x32xf32, #tpu.memory_space<vmem>> -> memref<1x1024x32xf32, #tpu.memory_space<vmem>>
    %dma_start3A_47 = tpu.memref_squeeze %dma_start3A_46 : memref<1x1024x32xf32, #tpu.memory_space<vmem>> -> memref<1024x32xf32, #tpu.memory_space<vmem>>
    %dma_start3A_48 = arith.constant 0 : i32
    %dma_start3A_49 = tpu.memref_slice %arg4[%add3A_42, %dma_start3A_48] : memref<425984x32xf32, #tpu.memory_space<hbm>> -> memref<1024x32xf32, #tpu.memory_space<hbm>>
    %dma_start3A_50 = arith.constant 0 : i32
    %dma_start3A_51 = tpu.memref_slice %arg4[%add3A_42, %dma_start3A_50] : memref<425984x32xf32, #tpu.memory_space<hbm>> -> memref<1024x32xf32, #tpu.memory_space<hbm>>
    %dma_start3A_52 = arith.constant 0 : i32
    %dma_start3A_53 = arith.constant 0 : i32
    %dma_start3A_54 = tpu.memref_slice %arg6[%dma_start3A_43, %dma_start3A_52, %dma_start3A_53] : memref<3x1024x32xf32, #tpu.memory_space<vmem>> -> memref<1x1024x32xf32, #tpu.memory_space<vmem>>
    %dma_start3A_55 = tpu.memref_squeeze %dma_start3A_54 : memref<1x1024x32xf32, #tpu.memory_space<vmem>> -> memref<1024x32xf32, #tpu.memory_space<vmem>>
    tpu.enqueue_dma source(%dma_start3A_55 : memref<1024x32xf32, #tpu.memory_space<vmem>>) target(%dma_start3A_51 : memref<1024x32xf32, #tpu.memory_space<hbm>>) target_semaphore(%arg10 : memref<!tpu.dma_semaphore, #tpu.memory_space<semaphore_mem>>)
    %dma_wait3A_56 = arith.constant 0 : i32
    %dma_wait3A_57 = arith.constant 0 : i32
    %dma_wait3A_58 = arith.constant 0 : i32
    %dma_wait3A_59 = tpu.memref_slice %arg6[%dma_wait3A_56, %dma_wait3A_57, %dma_wait3A_58] : memref<3x1024x32xf32, #tpu.memory_space<vmem>> -> memref<1x1024x32xf32, #tpu.memory_space<vmem>>
    %dma_wait3A_60 = tpu.memref_squeeze %dma_wait3A_59 : memref<1x1024x32xf32, #tpu.memory_space<vmem>> -> memref<1024x32xf32, #tpu.memory_space<vmem>>
    %dma_wait3A_61 = arith.constant 0 : i32
    %dma_wait3A_62 = tpu.memref_slice %arg4[%add3A_42, %dma_wait3A_61] : memref<425984x32xf32, #tpu.memory_space<hbm>> -> memref<1024x32xf32, #tpu.memory_space<hbm>>
    %dma_wait3A_63 = arith.constant 0 : i32
    %dma_wait3A_64 = tpu.memref_slice %arg4[%add3A_42, %dma_wait3A_63] : memref<425984x32xf32, #tpu.memory_space<hbm>> -> memref<1024x32xf32, #tpu.memory_space<hbm>>
    %dma_wait3A_65 = arith.constant 0 : i32
    %dma_wait3A_66 = arith.constant 0 : i32
    %dma_wait3A_67 = tpu.memref_slice %arg6[%dma_wait3A_56, %dma_wait3A_65, %dma_wait3A_66] : memref<3x1024x32xf32, #tpu.memory_space<vmem>> -> memref<1x1024x32xf32, #tpu.memory_space<vmem>>
    %dma_wait3A_68 = tpu.memref_squeeze %dma_wait3A_67 : memref<1x1024x32xf32, #tpu.memory_space<vmem>> -> memref<1024x32xf32, #tpu.memory_space<vmem>>
    tpu.wait_dma2 semaphore(%arg10 : memref<!tpu.dma_semaphore, #tpu.memory_space<semaphore_mem>>) src(%dma_wait3A_68 : memref<1024x32xf32, #tpu.memory_space<vmem>>) dst(%dma_wait3A_64 : memref<1024x32xf32, #tpu.memory_space<hbm>>)
    %dma_start3A_69 = arith.constant 0 : i32
    %dma_start3A_70 = arith.constant 0 : i32
    %dma_start3A_71 = arith.constant 0 : i32
    %dma_start3A_72 = tpu.memref_slice %arg6[%dma_start3A_69, %dma_start3A_70, %dma_start3A_71] : memref<3x1024x32xf32, #tpu.memory_space<vmem>> -> memref<1x1024x32xf32, #tpu.memory_space<vmem>>
    %dma_start3A_73 = tpu.memref_squeeze %dma_start3A_72 : memref<1x1024x32xf32, #tpu.memory_space<vmem>> -> memref<1024x32xf32, #tpu.memory_space<vmem>>
    %dma_start3A_74 = arith.constant 3072 : i32
    %dma_start3A_75 = tpu.memref_slice %arg5[%dma_start3A_74] : memref<13312xi32, #tpu.memory_space<vmem>> -> memref<1024xi32, #tpu.memory_space<vmem>>
    %dma_start3A_76 = arith.constant 0 : i32
    %dma_start3A_77 = arith.constant 0 : i32
    %dma_start3A_78 = tpu.memref_slice %arg3[%dma_start3A_76, %dma_start3A_77] : memref<1000000x32xf32, #tpu.memory_space<hbm>> -> memref<1000000x32xf32, #tpu.memory_space<hbm>>
    tpu.enqueue_indirect_dma source(%dma_start3A_78 : memref<1000000x32xf32, #tpu.memory_space<hbm>>) target(%dma_start3A_73 : memref<1024x32xf32, #tpu.memory_space<vmem>>) offsets(%dma_start3A_75 : memref<1024xi32, #tpu.memory_space<vmem>>) semaphore(%arg7 : memref<!tpu.dma_semaphore, #tpu.memory_space<semaphore_mem>>)
    %dma_wait3A_79 = arith.constant 1 : i32
    %dma_wait3A_80 = arith.constant 0 : i32
    %dma_wait3A_81 = arith.constant 0 : i32
    %dma_wait3A_82 = tpu.memref_slice %arg6[%dma_wait3A_79, %dma_wait3A_80, %dma_wait3A_81] : memref<3x1024x32xf32, #tpu.memory_space<vmem>> -> memref<1x1024x32xf32, #tpu.memory_space<vmem>>
    %dma_wait3A_83 = tpu.memref_squeeze %dma_wait3A_82 : memref<1x1024x32xf32, #tpu.memory_space<vmem>> -> memref<1024x32xf32, #tpu.memory_space<vmem>>
    %dma_wait3A_84 = arith.constant 1024 : i32
    %dma_wait3A_85 = tpu.memref_slice %arg5[%dma_wait3A_84] : memref<13312xi32, #tpu.memory_space<vmem>> -> memref<1024xi32, #tpu.memory_space<vmem>>
    %dma_wait3A_86 = arith.constant 0 : i32
    %dma_wait3A_87 = arith.constant 0 : i32
    %dma_wait3A_88 = tpu.memref_slice %arg3[%dma_wait3A_86, %dma_wait3A_87] : memref<1000000x32xf32, #tpu.memory_space<hbm>> -> memref<1000000x32xf32, #tpu.memory_space<hbm>>
    tpu.wait_indirect_dma semaphore(%arg8 : memref<!tpu.dma_semaphore, #tpu.memory_space<semaphore_mem>>) src(%dma_wait3A_88 : memref<1000000x32xf32, #tpu.memory_space<hbm>>) dst(%dma_wait3A_83 : memref<1024x32xf32, #tpu.memory_space<vmem>>)
    %add3A_89 = arith.constant 1024 : i32
    %add3A_90 = arith.addi %mul3A_2, %add3A_89 : i32
    %dma_start3A_91 = arith.constant 1 : i32
    %dma_start3A_92 = arith.constant 0 : i32
    %dma_start3A_93 = arith.constant 0 : i32
    %dma_start3A_94 = tpu.memref_slice %arg6[%dma_start3A_91, %dma_start3A_92, %dma_start3A_93] : memref<3x1024x32xf32, #tpu.memory_space<vmem>> -> memref<1x1024x32xf32, #tpu.memory_space<vmem>>
    %dma_start3A_95 = tpu.memref_squeeze %dma_start3A_94 : memref<1x1024x32xf32, #tpu.memory_space<vmem>> -> memref<1024x32xf32, #tpu.memory_space<vmem>>
    %dma_start3A_96 = arith.constant 0 : i32
    %dma_start3A_97 = tpu.memref_slice %arg4[%add3A_90, %dma_start3A_96] : memref<425984x32xf32, #tpu.memory_space<hbm>> -> memref<1024x32xf32, #tpu.memory_space<hbm>>
    %dma_start3A_98 = arith.constant 0 : i32
    %dma_start3A_99 = tpu.memref_slice %arg4[%add3A_90, %dma_start3A_98] : memref<425984x32xf32, #tpu.memory_space<hbm>> -> memref<1024x32xf32, #tpu.memory_space<hbm>>
    %dma_start3A_100 = arith.constant 0 : i32
    %dma_start3A_101 = arith.constant 0 : i32
    %dma_start3A_102 = tpu.memref_slice %arg6[%dma_start3A_91, %dma_start3A_100, %dma_start3A_101] : memref<3x1024x32xf32, #tpu.memory_space<vmem>> -> memref<1x1024x32xf32, #tpu.memory_space<vmem>>
    %dma_start3A_103 = tpu.memref_squeeze %dma_start3A_102 : memref<1x1024x32xf32, #tpu.memory_space<vmem>> -> memref<1024x32xf32, #tpu.memory_space<vmem>>
    tpu.enqueue_dma source(%dma_start3A_103 : memref<1024x32xf32, #tpu.memory_space<vmem>>) target(%dma_start3A_99 : memref<1024x32xf32, #tpu.memory_space<hbm>>) target_semaphore(%arg11 : memref<!tpu.dma_semaphore, #tpu.memory_space<semaphore_mem>>)
    %dma_wait3A_104 = arith.constant 1 : i32
    %dma_wait3A_105 = arith.constant 0 : i32
    %dma_wait3A_106 = arith.constant 0 : i32
    %dma_wait3A_107 = tpu.memref_slice %arg6[%dma_wait3A_104, %dma_wait3A_105, %dma_wait3A_106] : memref<3x1024x32xf32, #tpu.memory_space<vmem>> -> memref<1x1024x32xf32, #tpu.memory_space<vmem>>
    %dma_wait3A_108 = tpu.memref_squeeze %dma_wait3A_107 : memref<1x1024x32xf32, #tpu.memory_space<vmem>> -> memref<1024x32xf32, #tpu.memory_space<vmem>>
    %dma_wait3A_109 = arith.constant 0 : i32
    %dma_wait3A_110 = tpu.memref_slice %arg4[%add3A_90, %dma_wait3A_109] : memref<425984x32xf32, #tpu.memory_space<hbm>> -> memref<1024x32xf32, #tpu.memory_space<hbm>>
    %dma_wait3A_111 = arith.constant 0 : i32
    %dma_wait3A_112 = tpu.memref_slice %arg4[%add3A_90, %dma_wait3A_111] : memref<425984x32xf32, #tpu.memory_space<hbm>> -> memref<1024x32xf32, #tpu.memory_space<hbm>>
    %dma_wait3A_113 = arith.constant 0 : i32
    %dma_wait3A_114 = arith.constant 0 : i32
    %dma_wait3A_115 = tpu.memref_slice %arg6[%dma_wait3A_104, %dma_wait3A_113, %dma_wait3A_114] : memref<3x1024x32xf32, #tpu.memory_space<vmem>> -> memref<1x1024x32xf32, #tpu.memory_space<vmem>>
    %dma_wait3A_116 = tpu.memref_squeeze %dma_wait3A_115 : memref<1x1024x32xf32, #tpu.memory_space<vmem>> -> memref<1024x32xf32, #tpu.memory_space<vmem>>
    tpu.wait_dma2 semaphore(%arg11 : memref<!tpu.dma_semaphore, #tpu.memory_space<semaphore_mem>>) src(%dma_wait3A_116 : memref<1024x32xf32, #tpu.memory_space<vmem>>) dst(%dma_wait3A_112 : memref<1024x32xf32, #tpu.memory_space<hbm>>)
    %dma_start3A_117 = arith.constant 1 : i32
    %dma_start3A_118 = arith.constant 0 : i32
    %dma_start3A_119 = arith.constant 0 : i32
    %dma_start3A_120 = tpu.memref_slice %arg6[%dma_start3A_117, %dma_start3A_118, %dma_start3A_119] : memref<3x1024x32xf32, #tpu.memory_space<vmem>> -> memref<1x1024x32xf32, #tpu.memory_space<vmem>>
    %dma_start3A_121 = tpu.memref_squeeze %dma_start3A_120 : memref<1x1024x32xf32, #tpu.memory_space<vmem>> -> memref<1024x32xf32, #tpu.memory_space<vmem>>
    %dma_start3A_122 = arith.constant 4096 : i32
    %dma_start3A_123 = tpu.memref_slice %arg5[%dma_start3A_122] : memref<13312xi32, #tpu.memory_space<vmem>> -> memref<1024xi32, #tpu.memory_space<vmem>>
    %dma_start3A_124 = arith.constant 0 : i32
    %dma_start3A_125 = arith.constant 0 : i32
    %dma_start3A_126 = tpu.memref_slice %arg3[%dma_start3A_124, %dma_start3A_125] : memref<1000000x32xf32, #tpu.memory_space<hbm>> -> memref<1000000x32xf32, #tpu.memory_space<hbm>>
    tpu.enqueue_indirect_dma source(%dma_start3A_126 : memref<1000000x32xf32, #tpu.memory_space<hbm>>) target(%dma_start3A_121 : memref<1024x32xf32, #tpu.memory_space<vmem>>) offsets(%dma_start3A_123 : memref<1024xi32, #tpu.memory_space<vmem>>) semaphore(%arg8 : memref<!tpu.dma_semaphore, #tpu.memory_space<semaphore_mem>>)
    %dma_wait3A_127 = arith.constant 2 : i32
    %dma_wait3A_128 = arith.constant 0 : i32
    %dma_wait3A_129 = arith.constant 0 : i32
    %dma_wait3A_130 = tpu.memref_slice %arg6[%dma_wait3A_127, %dma_wait3A_128, %dma_wait3A_129] : memref<3x1024x32xf32, #tpu.memory_space<vmem>> -> memref<1x1024x32xf32, #tpu.memory_space<vmem>>
    %dma_wait3A_131 = tpu.memref_squeeze %dma_wait3A_130 : memref<1x1024x32xf32, #tpu.memory_space<vmem>> -> memref<1024x32xf32, #tpu.memory_space<vmem>>
    %dma_wait3A_132 = arith.constant 2048 : i32
    %dma_wait3A_133 = tpu.memref_slice %arg5[%dma_wait3A_132] : memref<13312xi32, #tpu.memory_space<vmem>> -> memref<1024xi32, #tpu.memory_space<vmem>>
    %dma_wait3A_134 = arith.constant 0 : i32
    %dma_wait3A_135 = arith.constant 0 : i32
    %dma_wait3A_136 = tpu.memref_slice %arg3[%dma_wait3A_134, %dma_wait3A_135] : memref<1000000x32xf32, #tpu.memory_space<hbm>> -> memref<1000000x32xf32, #tpu.memory_space<hbm>>
    tpu.wait_indirect_dma semaphore(%arg9 : memref<!tpu.dma_semaphore, #tpu.memory_space<semaphore_mem>>) src(%dma_wait3A_136 : memref<1000000x32xf32, #tpu.memory_space<hbm>>) dst(%dma_wait3A_131 : memref<1024x32xf32, #tpu.memory_space<vmem>>)
    %add3A_137 = arith.constant 2048 : i32
    %add3A_138 = arith.addi %mul3A_2, %add3A_137 : i32
    %dma_start3A_139 = arith.constant 2 : i32
    %dma_start3A_140 = arith.constant 0 : i32
    %dma_start3A_141 = arith.constant 0 : i32
    %dma_start3A_142 = tpu.memref_slice %arg6[%dma_start3A_139, %dma_start3A_140, %dma_start3A_141] : memref<3x1024x32xf32, #tpu.memory_space<vmem>> -> memref<1x1024x32xf32, #tpu.memory_space<vmem>>
    %dma_start3A_143 = tpu.memref_squeeze %dma_start3A_142 : memref<1x1024x32xf32, #tpu.memory_space<vmem>> -> memref<1024x32xf32, #tpu.memory_space<vmem>>
    %dma_start3A_144 = arith.constant 0 : i32
    %dma_start3A_145 = tpu.memref_slice %arg4[%add3A_138, %dma_start3A_144] : memref<425984x32xf32, #tpu.memory_space<hbm>> -> memref<1024x32xf32, #tpu.memory_space<hbm>>
    %dma_start3A_146 = arith.constant 0 : i32
    %dma_start3A_147 = tpu.memref_slice %arg4[%add3A_138, %dma_start3A_146] : memref<425984x32xf32, #tpu.memory_space<hbm>> -> memref<1024x32xf32, #tpu.memory_space<hbm>>
    %dma_start3A_148 = arith.constant 0 : i32
    %dma_start3A_149 = arith.constant 0 : i32
    %dma_start3A_150 = tpu.memref_slice %arg6[%dma_start3A_139, %dma_start3A_148, %dma_start3A_149] : memref<3x1024x32xf32, #tpu.memory_space<vmem>> -> memref<1x1024x32xf32, #tpu.memory_space<vmem>>
    %dma_start3A_151 = tpu.memref_squeeze %dma_start3A_150 : memref<1x1024x32xf32, #tpu.memory_space<vmem>> -> memref<1024x32xf32, #tpu.memory_space<vmem>>
    tpu.enqueue_dma source(%dma_start3A_151 : memref<1024x32xf32, #tpu.memory_space<vmem>>) target(%dma_start3A_147 : memref<1024x32xf32, #tpu.memory_space<hbm>>) target_semaphore(%arg12 : memref<!tpu.dma_semaphore, #tpu.memory_space<semaphore_mem>>)
    %dma_wait3A_152 = arith.constant 2 : i32
    %dma_wait3A_153 = arith.constant 0 : i32
    %dma_wait3A_154 = arith.constant 0 : i32
    %dma_wait3A_155 = tpu.memref_slice %arg6[%dma_wait3A_152, %dma_wait3A_153, %dma_wait3A_154] : memref<3x1024x32xf32, #tpu.memory_space<vmem>> -> memref<1x1024x32xf32, #tpu.memory_space<vmem>>
    %dma_wait3A_156 = tpu.memref_squeeze %dma_wait3A_155 : memref<1x1024x32xf32, #tpu.memory_space<vmem>> -> memref<1024x32xf32, #tpu.memory_space<vmem>>
    %dma_wait3A_157 = arith.constant 0 : i32
    %dma_wait3A_158 = tpu.memref_slice %arg4[%add3A_138, %dma_wait3A_157] : memref<425984x32xf32, #tpu.memory_space<hbm>> -> memref<1024x32xf32, #tpu.memory_space<hbm>>
    %dma_wait3A_159 = arith.constant 0 : i32
    %dma_wait3A_160 = tpu.memref_slice %arg4[%add3A_138, %dma_wait3A_159] : memref<425984x32xf32, #tpu.memory_space<hbm>> -> memref<1024x32xf32, #tpu.memory_space<hbm>>
    %dma_wait3A_161 = arith.constant 0 : i32
    %dma_wait3A_162 = arith.constant 0 : i32
    %dma_wait3A_163 = tpu.memref_slice %arg6[%dma_wait3A_152, %dma_wait3A_161, %dma_wait3A_162] : memref<3x1024x32xf32, #tpu.memory_space<vmem>> -> memref<1x1024x32xf32, #tpu.memory_space<vmem>>
    %dma_wait3A_164 = tpu.memref_squeeze %dma_wait3A_163 : memref<1x1024x32xf32, #tpu.memory_space<vmem>> -> memref<1024x32xf32, #tpu.memory_space<vmem>>
    tpu.wait_dma2 semaphore(%arg12 : memref<!tpu.dma_semaphore, #tpu.memory_space<semaphore_mem>>) src(%dma_wait3A_164 : memref<1024x32xf32, #tpu.memory_space<vmem>>) dst(%dma_wait3A_160 : memref<1024x32xf32, #tpu.memory_space<hbm>>)
    %dma_start3A_165 = arith.constant 2 : i32
    %dma_start3A_166 = arith.constant 0 : i32
    %dma_start3A_167 = arith.constant 0 : i32
    %dma_start3A_168 = tpu.memref_slice %arg6[%dma_start3A_165, %dma_start3A_166, %dma_start3A_167] : memref<3x1024x32xf32, #tpu.memory_space<vmem>> -> memref<1x1024x32xf32, #tpu.memory_space<vmem>>
    %dma_start3A_169 = tpu.memref_squeeze %dma_start3A_168 : memref<1x1024x32xf32, #tpu.memory_space<vmem>> -> memref<1024x32xf32, #tpu.memory_space<vmem>>
    %dma_start3A_170 = arith.constant 5120 : i32
    %dma_start3A_171 = tpu.memref_slice %arg5[%dma_start3A_170] : memref<13312xi32, #tpu.memory_space<vmem>> -> memref<1024xi32, #tpu.memory_space<vmem>>
    %dma_start3A_172 = arith.constant 0 : i32
    %dma_start3A_173 = arith.constant 0 : i32
    %dma_start3A_174 = tpu.memref_slice %arg3[%dma_start3A_172, %dma_start3A_173] : memref<1000000x32xf32, #tpu.memory_space<hbm>> -> memref<1000000x32xf32, #tpu.memory_space<hbm>>
    tpu.enqueue_indirect_dma source(%dma_start3A_174 : memref<1000000x32xf32, #tpu.memory_space<hbm>>) target(%dma_start3A_169 : memref<1024x32xf32, #tpu.memory_space<vmem>>) offsets(%dma_start3A_171 : memref<1024xi32, #tpu.memory_space<vmem>>) semaphore(%arg9 : memref<!tpu.dma_semaphore, #tpu.memory_space<semaphore_mem>>)
    %dma_wait3A_175 = arith.constant 0 : i32
    %dma_wait3A_176 = arith.constant 0 : i32
    %dma_wait3A_177 = arith.constant 0 : i32
    %dma_wait3A_178 = tpu.memref_slice %arg6[%dma_wait3A_175, %dma_wait3A_176, %dma_wait3A_177] : memref<3x1024x32xf32, #tpu.memory_space<vmem>> -> memref<1x1024x32xf32, #tpu.memory_space<vmem>>
    %dma_wait3A_179 = tpu.memref_squeeze %dma_wait3A_178 : memref<1x1024x32xf32, #tpu.memory_space<vmem>> -> memref<1024x32xf32, #tpu.memory_space<vmem>>
    %dma_wait3A_180 = arith.constant 3072 : i32
    %dma_wait3A_181 = tpu.memref_slice %arg5[%dma_wait3A_180] : memref<13312xi32, #tpu.memory_space<vmem>> -> memref<1024xi32, #tpu.memory_space<vmem>>
    %dma_wait3A_182 = arith.constant 0 : i32
    %dma_wait3A_183 = arith.constant 0 : i32
    %dma_wait3A_184 = tpu.memref_slice %arg3[%dma_wait3A_182, %dma_wait3A_183] : memref<1000000x32xf32, #tpu.memory_space<hbm>> -> memref<1000000x32xf32, #tpu.memory_space<hbm>>
    tpu.wait_indirect_dma semaphore(%arg7 : memref<!tpu.dma_semaphore, #tpu.memory_space<semaphore_mem>>) src(%dma_wait3A_184 : memref<1000000x32xf32, #tpu.memory_space<hbm>>) dst(%dma_wait3A_179 : memref<1024x32xf32, #tpu.memory_space<vmem>>)
    %add3A_185 = arith.constant 3072 : i32
    %add3A_186 = arith.addi %mul3A_2, %add3A_185 : i32
    %dma_start3A_187 = arith.constant 0 : i32
    %dma_start3A_188 = arith.constant 0 : i32
    %dma_start3A_189 = arith.constant 0 : i32
    %dma_start3A_190 = tpu.memref_slice %arg6[%dma_start3A_187, %dma_start3A_188, %dma_start3A_189] : memref<3x1024x32xf32, #tpu.memory_space<vmem>> -> memref<1x1024x32xf32, #tpu.memory_space<vmem>>
    %dma_start3A_191 = tpu.memref_squeeze %dma_start3A_190 : memref<1x1024x32xf32, #tpu.memory_space<vmem>> -> memref<1024x32xf32, #tpu.memory_space<vmem>>
    %dma_start3A_192 = arith.constant 0 : i32
    %dma_start3A_193 = tpu.memref_slice %arg4[%add3A_186, %dma_start3A_192] : memref<425984x32xf32, #tpu.memory_space<hbm>> -> memref<1024x32xf32, #tpu.memory_space<hbm>>
    %dma_start3A_194 = arith.constant 0 : i32
    %dma_start3A_195 = tpu.memref_slice %arg4[%add3A_186, %dma_start3A_194] : memref<425984x32xf32, #tpu.memory_space<hbm>> -> memref<1024x32xf32, #tpu.memory_space<hbm>>
    %dma_start3A_196 = arith.constant 0 : i32
    %dma_start3A_197 = arith.constant 0 : i32
    %dma_start3A_198 = tpu.memref_slice %arg6[%dma_start3A_187, %dma_start3A_196, %dma_start3A_197] : memref<3x1024x32xf32, #tpu.memory_space<vmem>> -> memref<1x1024x32xf32, #tpu.memory_space<vmem>>
    %dma_start3A_199 = tpu.memref_squeeze %dma_start3A_198 : memref<1x1024x32xf32, #tpu.memory_space<vmem>> -> memref<1024x32xf32, #tpu.memory_space<vmem>>
    tpu.enqueue_dma source(%dma_start3A_199 : memref<1024x32xf32, #tpu.memory_space<vmem>>) target(%dma_start3A_195 : memref<1024x32xf32, #tpu.memory_space<hbm>>) target_semaphore(%arg10 : memref<!tpu.dma_semaphore, #tpu.memory_space<semaphore_mem>>)
    %dma_wait3A_200 = arith.constant 0 : i32
    %dma_wait3A_201 = arith.constant 0 : i32
    %dma_wait3A_202 = arith.constant 0 : i32
    %dma_wait3A_203 = tpu.memref_slice %arg6[%dma_wait3A_200, %dma_wait3A_201, %dma_wait3A_202] : memref<3x1024x32xf32, #tpu.memory_space<vmem>> -> memref<1x1024x32xf32, #tpu.memory_space<vmem>>
    %dma_wait3A_204 = tpu.memref_squeeze %dma_wait3A_203 : memref<1x1024x32xf32, #tpu.memory_space<vmem>> -> memref<1024x32xf32, #tpu.memory_space<vmem>>
    %dma_wait3A_205 = arith.constant 0 : i32
    %dma_wait3A_206 = tpu.memref_slice %arg4[%add3A_186, %dma_wait3A_205] : memref<425984x32xf32, #tpu.memory_space<hbm>> -> memref<1024x32xf32, #tpu.memory_space<hbm>>
    %dma_wait3A_207 = arith.constant 0 : i32
    %dma_wait3A_208 = tpu.memref_slice %arg4[%add3A_186, %dma_wait3A_207] : memref<425984x32xf32, #tpu.memory_space<hbm>> -> memref<1024x32xf32, #tpu.memory_space<hbm>>
    %dma_wait3A_209 = arith.constant 0 : i32
    %dma_wait3A_210 = arith.constant 0 : i32
    %dma_wait3A_211 = tpu.memref_slice %arg6[%dma_wait3A_200, %dma_wait3A_209, %dma_wait3A_210] : memref<3x1024x32xf32, #tpu.memory_space<vmem>> -> memref<1x1024x32xf32, #tpu.memory_space<vmem>>
    %dma_wait3A_212 = tpu.memref_squeeze %dma_wait3A_211 : memref<1x1024x32xf32, #tpu.memory_space<vmem>> -> memref<1024x32xf32, #tpu.memory_space<vmem>>
    tpu.wait_dma2 semaphore(%arg10 : memref<!tpu.dma_semaphore, #tpu.memory_space<semaphore_mem>>) src(%dma_wait3A_212 : memref<1024x32xf32, #tpu.memory_space<vmem>>) dst(%dma_wait3A_208 : memref<1024x32xf32, #tpu.memory_space<hbm>>)
    %dma_start3A_213 = arith.constant 0 : i32
    %dma_start3A_214 = arith.constant 0 : i32
    %dma_start3A_215 = arith.constant 0 : i32
    %dma_start3A_216 = tpu.memref_slice %arg6[%dma_start3A_213, %dma_start3A_214, %dma_start3A_215] : memref<3x1024x32xf32, #tpu.memory_space<vmem>> -> memref<1x1024x32xf32, #tpu.memory_space<vmem>>
    %dma_start3A_217 = tpu.memref_squeeze %dma_start3A_216 : memref<1x1024x32xf32, #tpu.memory_space<vmem>> -> memref<1024x32xf32, #tpu.memory_space<vmem>>
    %dma_start3A_218 = arith.constant 6144 : i32
    %dma_start3A_219 = tpu.memref_slice %arg5[%dma_start3A_218] : memref<13312xi32, #tpu.memory_space<vmem>> -> memref<1024xi32, #tpu.memory_space<vmem>>
    %dma_start3A_220 = arith.constant 0 : i32
    %dma_start3A_221 = arith.constant 0 : i32
    %dma_start3A_222 = tpu.memref_slice %arg3[%dma_start3A_220, %dma_start3A_221] : memref<1000000x32xf32, #tpu.memory_space<hbm>> -> memref<1000000x32xf32, #tpu.memory_space<hbm>>
    tpu.enqueue_indirect_dma source(%dma_start3A_222 : memref<1000000x32xf32, #tpu.memory_space<hbm>>) target(%dma_start3A_217 : memref<1024x32xf32, #tpu.memory_space<vmem>>) offsets(%dma_start3A_219 : memref<1024xi32, #tpu.memory_space<vmem>>) semaphore(%arg7 : memref<!tpu.dma_semaphore, #tpu.memory_space<semaphore_mem>>)
    %dma_wait3A_223 = arith.constant 1 : i32
    %dma_wait3A_224 = arith.constant 0 : i32
    %dma_wait3A_225 = arith.constant 0 : i32
    %dma_wait3A_226 = tpu.memref_slice %arg6[%dma_wait3A_223, %dma_wait3A_224, %dma_wait3A_225] : memref<3x1024x32xf32, #tpu.memory_space<vmem>> -> memref<1x1024x32xf32, #tpu.memory_space<vmem>>
    %dma_wait3A_227 = tpu.memref_squeeze %dma_wait3A_226 : memref<1x1024x32xf32, #tpu.memory_space<vmem>> -> memref<1024x32xf32, #tpu.memory_space<vmem>>
    %dma_wait3A_228 = arith.constant 4096 : i32
    %dma_wait3A_229 = tpu.memref_slice %arg5[%dma_wait3A_228] : memref<13312xi32, #tpu.memory_space<vmem>> -> memref<1024xi32, #tpu.memory_space<vmem>>
    %dma_wait3A_230 = arith.constant 0 : i32
    %dma_wait3A_231 = arith.constant 0 : i32
    %dma_wait3A_232 = tpu.memref_slice %arg3[%dma_wait3A_230, %dma_wait3A_231] : memref<1000000x32xf32, #tpu.memory_space<hbm>> -> memref<1000000x32xf32, #tpu.memory_space<hbm>>
    tpu.wait_indirect_dma semaphore(%arg8 : memref<!tpu.dma_semaphore, #tpu.memory_space<semaphore_mem>>) src(%dma_wait3A_232 : memref<1000000x32xf32, #tpu.memory_space<hbm>>) dst(%dma_wait3A_227 : memref<1024x32xf32, #tpu.memory_space<vmem>>)
    %add3A_233 = arith.constant 4096 : i32
    %add3A_234 = arith.addi %mul3A_2, %add3A_233 : i32
    %dma_start3A_235 = arith.constant 1 : i32
    %dma_start3A_236 = arith.constant 0 : i32
    %dma_start3A_237 = arith.constant 0 : i32
    %dma_start3A_238 = tpu.memref_slice %arg6[%dma_start3A_235, %dma_start3A_236, %dma_start3A_237] : memref<3x1024x32xf32, #tpu.memory_space<vmem>> -> memref<1x1024x32xf32, #tpu.memory_space<vmem>>
    %dma_start3A_239 = tpu.memref_squeeze %dma_start3A_238 : memref<1x1024x32xf32, #tpu.memory_space<vmem>> -> memref<1024x32xf32, #tpu.memory_space<vmem>>
    %dma_start3A_240 = arith.constant 0 : i32
    %dma_start3A_241 = tpu.memref_slice %arg4[%add3A_234, %dma_start3A_240] : memref<425984x32xf32, #tpu.memory_space<hbm>> -> memref<1024x32xf32, #tpu.memory_space<hbm>>
    %dma_start3A_242 = arith.constant 0 : i32
    %dma_start3A_243 = tpu.memref_slice %arg4[%add3A_234, %dma_start3A_242] : memref<425984x32xf32, #tpu.memory_space<hbm>> -> memref<1024x32xf32, #tpu.memory_space<hbm>>
    %dma_start3A_244 = arith.constant 0 : i32
    %dma_start3A_245 = arith.constant 0 : i32
    %dma_start3A_246 = tpu.memref_slice %arg6[%dma_start3A_235, %dma_start3A_244, %dma_start3A_245] : memref<3x1024x32xf32, #tpu.memory_space<vmem>> -> memref<1x1024x32xf32, #tpu.memory_space<vmem>>
    %dma_start3A_247 = tpu.memref_squeeze %dma_start3A_246 : memref<1x1024x32xf32, #tpu.memory_space<vmem>> -> memref<1024x32xf32, #tpu.memory_space<vmem>>
    tpu.enqueue_dma source(%dma_start3A_247 : memref<1024x32xf32, #tpu.memory_space<vmem>>) target(%dma_start3A_243 : memref<1024x32xf32, #tpu.memory_space<hbm>>) target_semaphore(%arg11 : memref<!tpu.dma_semaphore, #tpu.memory_space<semaphore_mem>>)
    %dma_wait3A_248 = arith.constant 1 : i32
    %dma_wait3A_249 = arith.constant 0 : i32
    %dma_wait3A_250 = arith.constant 0 : i32
    %dma_wait3A_251 = tpu.memref_slice %arg6[%dma_wait3A_248, %dma_wait3A_249, %dma_wait3A_250] : memref<3x1024x32xf32, #tpu.memory_space<vmem>> -> memref<1x1024x32xf32, #tpu.memory_space<vmem>>
    %dma_wait3A_252 = tpu.memref_squeeze %dma_wait3A_251 : memref<1x1024x32xf32, #tpu.memory_space<vmem>> -> memref<1024x32xf32, #tpu.memory_space<vmem>>
    %dma_wait3A_253 = arith.constant 0 : i32
    %dma_wait3A_254 = tpu.memref_slice %arg4[%add3A_234, %dma_wait3A_253] : memref<425984x32xf32, #tpu.memory_space<hbm>> -> memref<1024x32xf32, #tpu.memory_space<hbm>>
    %dma_wait3A_255 = arith.constant 0 : i32
    %dma_wait3A_256 = tpu.memref_slice %arg4[%add3A_234, %dma_wait3A_255] : memref<425984x32xf32, #tpu.memory_space<hbm>> -> memref<1024x32xf32, #tpu.memory_space<hbm>>
    %dma_wait3A_257 = arith.constant 0 : i32
    %dma_wait3A_258 = arith.constant 0 : i32
    %dma_wait3A_259 = tpu.memref_slice %arg6[%dma_wait3A_248, %dma_wait3A_257, %dma_wait3A_258] : memref<3x1024x32xf32, #tpu.memory_space<vmem>> -> memref<1x1024x32xf32, #tpu.memory_space<vmem>>
    %dma_wait3A_260 = tpu.memref_squeeze %dma_wait3A_259 : memref<1x1024x32xf32, #tpu.memory_space<vmem>> -> memref<1024x32xf32, #tpu.memory_space<vmem>>
    tpu.wait_dma2 semaphore(%arg11 : memref<!tpu.dma_semaphore, #tpu.memory_space<semaphore_mem>>) src(%dma_wait3A_260 : memref<1024x32xf32, #tpu.memory_space<vmem>>) dst(%dma_wait3A_256 : memref<1024x32xf32, #tpu.memory_space<hbm>>)
    %dma_start3A_261 = arith.constant 1 : i32
    %dma_start3A_262 = arith.constant 0 : i32
    %dma_start3A_263 = arith.constant 0 : i32
    %dma_start3A_264 = tpu.memref_slice %arg6[%dma_start3A_261, %dma_start3A_262, %dma_start3A_263] : memref<3x1024x32xf32, #tpu.memory_space<vmem>> -> memref<1x1024x32xf32, #tpu.memory_space<vmem>>
    %dma_start3A_265 = tpu.memref_squeeze %dma_start3A_264 : memref<1x1024x32xf32, #tpu.memory_space<vmem>> -> memref<1024x32xf32, #tpu.memory_space<vmem>>
    %dma_start3A_266 = arith.constant 7168 : i32
    %dma_start3A_267 = tpu.memref_slice %arg5[%dma_start3A_266] : memref<13312xi32, #tpu.memory_space<vmem>> -> memref<1024xi32, #tpu.memory_space<vmem>>
    %dma_start3A_268 = arith.constant 0 : i32
    %dma_start3A_269 = arith.constant 0 : i32
    %dma_start3A_270 = tpu.memref_slice %arg3[%dma_start3A_268, %dma_start3A_269] : memref<1000000x32xf32, #tpu.memory_space<hbm>> -> memref<1000000x32xf32, #tpu.memory_space<hbm>>
    tpu.enqueue_indirect_dma source(%dma_start3A_270 : memref<1000000x32xf32, #tpu.memory_space<hbm>>) target(%dma_start3A_265 : memref<1024x32xf32, #tpu.memory_space<vmem>>) offsets(%dma_start3A_267 : memref<1024xi32, #tpu.memory_space<vmem>>) semaphore(%arg8 : memref<!tpu.dma_semaphore, #tpu.memory_space<semaphore_mem>>)
    %dma_wait3A_271 = arith.constant 2 : i32
    %dma_wait3A_272 = arith.constant 0 : i32
    %dma_wait3A_273 = arith.constant 0 : i32
    %dma_wait3A_274 = tpu.memref_slice %arg6[%dma_wait3A_271, %dma_wait3A_272, %dma_wait3A_273] : memref<3x1024x32xf32, #tpu.memory_space<vmem>> -> memref<1x1024x32xf32, #tpu.memory_space<vmem>>
    %dma_wait3A_275 = tpu.memref_squeeze %dma_wait3A_274 : memref<1x1024x32xf32, #tpu.memory_space<vmem>> -> memref<1024x32xf32, #tpu.memory_space<vmem>>
    %dma_wait3A_276 = arith.constant 5120 : i32
    %dma_wait3A_277 = tpu.memref_slice %arg5[%dma_wait3A_276] : memref<13312xi32, #tpu.memory_space<vmem>> -> memref<1024xi32, #tpu.memory_space<vmem>>
    %dma_wait3A_278 = arith.constant 0 : i32
    %dma_wait3A_279 = arith.constant 0 : i32
    %dma_wait3A_280 = tpu.memref_slice %arg3[%dma_wait3A_278, %dma_wait3A_279] : memref<1000000x32xf32, #tpu.memory_space<hbm>> -> memref<1000000x32xf32, #tpu.memory_space<hbm>>
    tpu.wait_indirect_dma semaphore(%arg9 : memref<!tpu.dma_semaphore, #tpu.memory_space<semaphore_mem>>) src(%dma_wait3A_280 : memref<1000000x32xf32, #tpu.memory_space<hbm>>) dst(%dma_wait3A_275 : memref<1024x32xf32, #tpu.memory_space<vmem>>)
    %add3A_281 = arith.constant 5120 : i32
    %add3A_282 = arith.addi %mul3A_2, %add3A_281 : i32
    %dma_start3A_283 = arith.constant 2 : i32
    %dma_start3A_284 = arith.constant 0 : i32
    %dma_start3A_285 = arith.constant 0 : i32
    %dma_start3A_286 = tpu.memref_slice %arg6[%dma_start3A_283, %dma_start3A_284, %dma_start3A_285] : memref<3x1024x32xf32, #tpu.memory_space<vmem>> -> memref<1x1024x32xf32, #tpu.memory_space<vmem>>
    %dma_start3A_287 = tpu.memref_squeeze %dma_start3A_286 : memref<1x1024x32xf32, #tpu.memory_space<vmem>> -> memref<1024x32xf32, #tpu.memory_space<vmem>>
    %dma_start3A_288 = arith.constant 0 : i32
    %dma_start3A_289 = tpu.memref_slice %arg4[%add3A_282, %dma_start3A_288] : memref<425984x32xf32, #tpu.memory_space<hbm>> -> memref<1024x32xf32, #tpu.memory_space<hbm>>
    %dma_start3A_290 = arith.constant 0 : i32
    %dma_start3A_291 = tpu.memref_slice %arg4[%add3A_282, %dma_start3A_290] : memref<425984x32xf32, #tpu.memory_space<hbm>> -> memref<1024x32xf32, #tpu.memory_space<hbm>>
    %dma_start3A_292 = arith.constant 0 : i32
    %dma_start3A_293 = arith.constant 0 : i32
    %dma_start3A_294 = tpu.memref_slice %arg6[%dma_start3A_283, %dma_start3A_292, %dma_start3A_293] : memref<3x1024x32xf32, #tpu.memory_space<vmem>> -> memref<1x1024x32xf32, #tpu.memory_space<vmem>>
    %dma_start3A_295 = tpu.memref_squeeze %dma_start3A_294 : memref<1x1024x32xf32, #tpu.memory_space<vmem>> -> memref<1024x32xf32, #tpu.memory_space<vmem>>
    tpu.enqueue_dma source(%dma_start3A_295 : memref<1024x32xf32, #tpu.memory_space<vmem>>) target(%dma_start3A_291 : memref<1024x32xf32, #tpu.memory_space<hbm>>) target_semaphore(%arg12 : memref<!tpu.dma_semaphore, #tpu.memory_space<semaphore_mem>>)
    %dma_wait3A_296 = arith.constant 2 : i32
    %dma_wait3A_297 = arith.constant 0 : i32
    %dma_wait3A_298 = arith.constant 0 : i32
    %dma_wait3A_299 = tpu.memref_slice %arg6[%dma_wait3A_296, %dma_wait3A_297, %dma_wait3A_298] : memref<3x1024x32xf32, #tpu.memory_space<vmem>> -> memref<1x1024x32xf32, #tpu.memory_space<vmem>>
    %dma_wait3A_300 = tpu.memref_squeeze %dma_wait3A_299 : memref<1x1024x32xf32, #tpu.memory_space<vmem>> -> memref<1024x32xf32, #tpu.memory_space<vmem>>
    %dma_wait3A_301 = arith.constant 0 : i32
    %dma_wait3A_302 = tpu.memref_slice %arg4[%add3A_282, %dma_wait3A_301] : memref<425984x32xf32, #tpu.memory_space<hbm>> -> memref<1024x32xf32, #tpu.memory_space<hbm>>
    %dma_wait3A_303 = arith.constant 0 : i32
    %dma_wait3A_304 = tpu.memref_slice %arg4[%add3A_282, %dma_wait3A_303] : memref<425984x32xf32, #tpu.memory_space<hbm>> -> memref<1024x32xf32, #tpu.memory_space<hbm>>
    %dma_wait3A_305 = arith.constant 0 : i32
    %dma_wait3A_306 = arith.constant 0 : i32
    %dma_wait3A_307 = tpu.memref_slice %arg6[%dma_wait3A_296, %dma_wait3A_305, %dma_wait3A_306] : memref<3x1024x32xf32, #tpu.memory_space<vmem>> -> memref<1x1024x32xf32, #tpu.memory_space<vmem>>
    %dma_wait3A_308 = tpu.memref_squeeze %dma_wait3A_307 : memref<1x1024x32xf32, #tpu.memory_space<vmem>> -> memref<1024x32xf32, #tpu.memory_space<vmem>>
    tpu.wait_dma2 semaphore(%arg12 : memref<!tpu.dma_semaphore, #tpu.memory_space<semaphore_mem>>) src(%dma_wait3A_308 : memref<1024x32xf32, #tpu.memory_space<vmem>>) dst(%dma_wait3A_304 : memref<1024x32xf32, #tpu.memory_space<hbm>>)
    %dma_start3A_309 = arith.constant 2 : i32
    %dma_start3A_310 = arith.constant 0 : i32
    %dma_start3A_311 = arith.constant 0 : i32
    %dma_start3A_312 = tpu.memref_slice %arg6[%dma_start3A_309, %dma_start3A_310, %dma_start3A_311] : memref<3x1024x32xf32, #tpu.memory_space<vmem>> -> memref<1x1024x32xf32, #tpu.memory_space<vmem>>
    %dma_start3A_313 = tpu.memref_squeeze %dma_start3A_312 : memref<1x1024x32xf32, #tpu.memory_space<vmem>> -> memref<1024x32xf32, #tpu.memory_space<vmem>>
    %dma_start3A_314 = arith.constant 8192 : i32
    %dma_start3A_315 = tpu.memref_slice %arg5[%dma_start3A_314] : memref<13312xi32, #tpu.memory_space<vmem>> -> memref<1024xi32, #tpu.memory_space<vmem>>
    %dma_start3A_316 = arith.constant 0 : i32
    %dma_start3A_317 = arith.constant 0 : i32
    %dma_start3A_318 = tpu.memref_slice %arg3[%dma_start3A_316, %dma_start3A_317] : memref<1000000x32xf32, #tpu.memory_space<hbm>> -> memref<1000000x32xf32, #tpu.memory_space<hbm>>
    tpu.enqueue_indirect_dma source(%dma_start3A_318 : memref<1000000x32xf32, #tpu.memory_space<hbm>>) target(%dma_start3A_313 : memref<1024x32xf32, #tpu.memory_space<vmem>>) offsets(%dma_start3A_315 : memref<1024xi32, #tpu.memory_space<vmem>>) semaphore(%arg9 : memref<!tpu.dma_semaphore, #tpu.memory_space<semaphore_mem>>)
    %dma_wait3A_319 = arith.constant 0 : i32
    %dma_wait3A_320 = arith.constant 0 : i32
    %dma_wait3A_321 = arith.constant 0 : i32
    %dma_wait3A_322 = tpu.memref_slice %arg6[%dma_wait3A_319, %dma_wait3A_320, %dma_wait3A_321] : memref<3x1024x32xf32, #tpu.memory_space<vmem>> -> memref<1x1024x32xf32, #tpu.memory_space<vmem>>
    %dma_wait3A_323 = tpu.memref_squeeze %dma_wait3A_322 : memref<1x1024x32xf32, #tpu.memory_space<vmem>> -> memref<1024x32xf32, #tpu.memory_space<vmem>>
    %dma_wait3A_324 = arith.constant 6144 : i32
    %dma_wait3A_325 = tpu.memref_slice %arg5[%dma_wait3A_324] : memref<13312xi32, #tpu.memory_space<vmem>> -> memref<1024xi32, #tpu.memory_space<vmem>>
    %dma_wait3A_326 = arith.constant 0 : i32
    %dma_wait3A_327 = arith.constant 0 : i32
    %dma_wait3A_328 = tpu.memref_slice %arg3[%dma_wait3A_326, %dma_wait3A_327] : memref<1000000x32xf32, #tpu.memory_space<hbm>> -> memref<1000000x32xf32, #tpu.memory_space<hbm>>
    tpu.wait_indirect_dma semaphore(%arg7 : memref<!tpu.dma_semaphore, #tpu.memory_space<semaphore_mem>>) src(%dma_wait3A_328 : memref<1000000x32xf32, #tpu.memory_space<hbm>>) dst(%dma_wait3A_323 : memref<1024x32xf32, #tpu.memory_space<vmem>>)
    %add3A_329 = arith.constant 6144 : i32
    %add3A_330 = arith.addi %mul3A_2, %add3A_329 : i32
    %dma_start3A_331 = arith.constant 0 : i32
    %dma_start3A_332 = arith.constant 0 : i32
    %dma_start3A_333 = arith.constant 0 : i32
    %dma_start3A_334 = tpu.memref_slice %arg6[%dma_start3A_331, %dma_start3A_332, %dma_start3A_333] : memref<3x1024x32xf32, #tpu.memory_space<vmem>> -> memref<1x1024x32xf32, #tpu.memory_space<vmem>>
    %dma_start3A_335 = tpu.memref_squeeze %dma_start3A_334 : memref<1x1024x32xf32, #tpu.memory_space<vmem>> -> memref<1024x32xf32, #tpu.memory_space<vmem>>
    %dma_start3A_336 = arith.constant 0 : i32
    %dma_start3A_337 = tpu.memref_slice %arg4[%add3A_330, %dma_start3A_336] : memref<425984x32xf32, #tpu.memory_space<hbm>> -> memref<1024x32xf32, #tpu.memory_space<hbm>>
    %dma_start3A_338 = arith.constant 0 : i32
    %dma_start3A_339 = tpu.memref_slice %arg4[%add3A_330, %dma_start3A_338] : memref<425984x32xf32, #tpu.memory_space<hbm>> -> memref<1024x32xf32, #tpu.memory_space<hbm>>
    %dma_start3A_340 = arith.constant 0 : i32
    %dma_start3A_341 = arith.constant 0 : i32
    %dma_start3A_342 = tpu.memref_slice %arg6[%dma_start3A_331, %dma_start3A_340, %dma_start3A_341] : memref<3x1024x32xf32, #tpu.memory_space<vmem>> -> memref<1x1024x32xf32, #tpu.memory_space<vmem>>
    %dma_start3A_343 = tpu.memref_squeeze %dma_start3A_342 : memref<1x1024x32xf32, #tpu.memory_space<vmem>> -> memref<1024x32xf32, #tpu.memory_space<vmem>>
    tpu.enqueue_dma source(%dma_start3A_343 : memref<1024x32xf32, #tpu.memory_space<vmem>>) target(%dma_start3A_339 : memref<1024x32xf32, #tpu.memory_space<hbm>>) target_semaphore(%arg10 : memref<!tpu.dma_semaphore, #tpu.memory_space<semaphore_mem>>)
    %dma_wait3A_344 = arith.constant 0 : i32
    %dma_wait3A_345 = arith.constant 0 : i32
    %dma_wait3A_346 = arith.constant 0 : i32
    %dma_wait3A_347 = tpu.memref_slice %arg6[%dma_wait3A_344, %dma_wait3A_345, %dma_wait3A_346] : memref<3x1024x32xf32, #tpu.memory_space<vmem>> -> memref<1x1024x32xf32, #tpu.memory_space<vmem>>
    %dma_wait3A_348 = tpu.memref_squeeze %dma_wait3A_347 : memref<1x1024x32xf32, #tpu.memory_space<vmem>> -> memref<1024x32xf32, #tpu.memory_space<vmem>>
    %dma_wait3A_349 = arith.constant 0 : i32
    %dma_wait3A_350 = tpu.memref_slice %arg4[%add3A_330, %dma_wait3A_349] : memref<425984x32xf32, #tpu.memory_space<hbm>> -> memref<1024x32xf32, #tpu.memory_space<hbm>>
    %dma_wait3A_351 = arith.constant 0 : i32
    %dma_wait3A_352 = tpu.memref_slice %arg4[%add3A_330, %dma_wait3A_351] : memref<425984x32xf32, #tpu.memory_space<hbm>> -> memref<1024x32xf32, #tpu.memory_space<hbm>>
    %dma_wait3A_353 = arith.constant 0 : i32
    %dma_wait3A_354 = arith.constant 0 : i32
    %dma_wait3A_355 = tpu.memref_slice %arg6[%dma_wait3A_344, %dma_wait3A_353, %dma_wait3A_354] : memref<3x1024x32xf32, #tpu.memory_space<vmem>> -> memref<1x1024x32xf32, #tpu.memory_space<vmem>>
    %dma_wait3A_356 = tpu.memref_squeeze %dma_wait3A_355 : memref<1x1024x32xf32, #tpu.memory_space<vmem>> -> memref<1024x32xf32, #tpu.memory_space<vmem>>
    tpu.wait_dma2 semaphore(%arg10 : memref<!tpu.dma_semaphore, #tpu.memory_space<semaphore_mem>>) src(%dma_wait3A_356 : memref<1024x32xf32, #tpu.memory_space<vmem>>) dst(%dma_wait3A_352 : memref<1024x32xf32, #tpu.memory_space<hbm>>)
    %dma_start3A_357 = arith.constant 0 : i32
    %dma_start3A_358 = arith.constant 0 : i32
    %dma_start3A_359 = arith.constant 0 : i32
    %dma_start3A_360 = tpu.memref_slice %arg6[%dma_start3A_357, %dma_start3A_358, %dma_start3A_359] : memref<3x1024x32xf32, #tpu.memory_space<vmem>> -> memref<1x1024x32xf32, #tpu.memory_space<vmem>>
    %dma_start3A_361 = tpu.memref_squeeze %dma_start3A_360 : memref<1x1024x32xf32, #tpu.memory_space<vmem>> -> memref<1024x32xf32, #tpu.memory_space<vmem>>
    %dma_start3A_362 = arith.constant 9216 : i32
    %dma_start3A_363 = tpu.memref_slice %arg5[%dma_start3A_362] : memref<13312xi32, #tpu.memory_space<vmem>> -> memref<1024xi32, #tpu.memory_space<vmem>>
    %dma_start3A_364 = arith.constant 0 : i32
    %dma_start3A_365 = arith.constant 0 : i32
    %dma_start3A_366 = tpu.memref_slice %arg3[%dma_start3A_364, %dma_start3A_365] : memref<1000000x32xf32, #tpu.memory_space<hbm>> -> memref<1000000x32xf32, #tpu.memory_space<hbm>>
    tpu.enqueue_indirect_dma source(%dma_start3A_366 : memref<1000000x32xf32, #tpu.memory_space<hbm>>) target(%dma_start3A_361 : memref<1024x32xf32, #tpu.memory_space<vmem>>) offsets(%dma_start3A_363 : memref<1024xi32, #tpu.memory_space<vmem>>) semaphore(%arg7 : memref<!tpu.dma_semaphore, #tpu.memory_space<semaphore_mem>>)
    %dma_wait3A_367 = arith.constant 1 : i32
    %dma_wait3A_368 = arith.constant 0 : i32
    %dma_wait3A_369 = arith.constant 0 : i32
    %dma_wait3A_370 = tpu.memref_slice %arg6[%dma_wait3A_367, %dma_wait3A_368, %dma_wait3A_369] : memref<3x1024x32xf32, #tpu.memory_space<vmem>> -> memref<1x1024x32xf32, #tpu.memory_space<vmem>>
    %dma_wait3A_371 = tpu.memref_squeeze %dma_wait3A_370 : memref<1x1024x32xf32, #tpu.memory_space<vmem>> -> memref<1024x32xf32, #tpu.memory_space<vmem>>
    %dma_wait3A_372 = arith.constant 7168 : i32
    %dma_wait3A_373 = tpu.memref_slice %arg5[%dma_wait3A_372] : memref<13312xi32, #tpu.memory_space<vmem>> -> memref<1024xi32, #tpu.memory_space<vmem>>
    %dma_wait3A_374 = arith.constant 0 : i32
    %dma_wait3A_375 = arith.constant 0 : i32
    %dma_wait3A_376 = tpu.memref_slice %arg3[%dma_wait3A_374, %dma_wait3A_375] : memref<1000000x32xf32, #tpu.memory_space<hbm>> -> memref<1000000x32xf32, #tpu.memory_space<hbm>>
    tpu.wait_indirect_dma semaphore(%arg8 : memref<!tpu.dma_semaphore, #tpu.memory_space<semaphore_mem>>) src(%dma_wait3A_376 : memref<1000000x32xf32, #tpu.memory_space<hbm>>) dst(%dma_wait3A_371 : memref<1024x32xf32, #tpu.memory_space<vmem>>)
    %add3A_377 = arith.constant 7168 : i32
    %add3A_378 = arith.addi %mul3A_2, %add3A_377 : i32
    %dma_start3A_379 = arith.constant 1 : i32
    %dma_start3A_380 = arith.constant 0 : i32
    %dma_start3A_381 = arith.constant 0 : i32
    %dma_start3A_382 = tpu.memref_slice %arg6[%dma_start3A_379, %dma_start3A_380, %dma_start3A_381] : memref<3x1024x32xf32, #tpu.memory_space<vmem>> -> memref<1x1024x32xf32, #tpu.memory_space<vmem>>
    %dma_start3A_383 = tpu.memref_squeeze %dma_start3A_382 : memref<1x1024x32xf32, #tpu.memory_space<vmem>> -> memref<1024x32xf32, #tpu.memory_space<vmem>>
    %dma_start3A_384 = arith.constant 0 : i32
    %dma_start3A_385 = tpu.memref_slice %arg4[%add3A_378, %dma_start3A_384] : memref<425984x32xf32, #tpu.memory_space<hbm>> -> memref<1024x32xf32, #tpu.memory_space<hbm>>
    %dma_start3A_386 = arith.constant 0 : i32
    %dma_start3A_387 = tpu.memref_slice %arg4[%add3A_378, %dma_start3A_386] : memref<425984x32xf32, #tpu.memory_space<hbm>> -> memref<1024x32xf32, #tpu.memory_space<hbm>>
    %dma_start3A_388 = arith.constant 0 : i32
    %dma_start3A_389 = arith.constant 0 : i32
    %dma_start3A_390 = tpu.memref_slice %arg6[%dma_start3A_379, %dma_start3A_388, %dma_start3A_389] : memref<3x1024x32xf32, #tpu.memory_space<vmem>> -> memref<1x1024x32xf32, #tpu.memory_space<vmem>>
    %dma_start3A_391 = tpu.memref_squeeze %dma_start3A_390 : memref<1x1024x32xf32, #tpu.memory_space<vmem>> -> memref<1024x32xf32, #tpu.memory_space<vmem>>
    tpu.enqueue_dma source(%dma_start3A_391 : memref<1024x32xf32, #tpu.memory_space<vmem>>) target(%dma_start3A_387 : memref<1024x32xf32, #tpu.memory_space<hbm>>) target_semaphore(%arg11 : memref<!tpu.dma_semaphore, #tpu.memory_space<semaphore_mem>>)
    %dma_wait3A_392 = arith.constant 1 : i32
    %dma_wait3A_393 = arith.constant 0 : i32
    %dma_wait3A_394 = arith.constant 0 : i32
    %dma_wait3A_395 = tpu.memref_slice %arg6[%dma_wait3A_392, %dma_wait3A_393, %dma_wait3A_394] : memref<3x1024x32xf32, #tpu.memory_space<vmem>> -> memref<1x1024x32xf32, #tpu.memory_space<vmem>>
    %dma_wait3A_396 = tpu.memref_squeeze %dma_wait3A_395 : memref<1x1024x32xf32, #tpu.memory_space<vmem>> -> memref<1024x32xf32, #tpu.memory_space<vmem>>
    %dma_wait3A_397 = arith.constant 0 : i32
    %dma_wait3A_398 = tpu.memref_slice %arg4[%add3A_378, %dma_wait3A_397] : memref<425984x32xf32, #tpu.memory_space<hbm>> -> memref<1024x32xf32, #tpu.memory_space<hbm>>
    %dma_wait3A_399 = arith.constant 0 : i32
    %dma_wait3A_400 = tpu.memref_slice %arg4[%add3A_378, %dma_wait3A_399] : memref<425984x32xf32, #tpu.memory_space<hbm>> -> memref<1024x32xf32, #tpu.memory_space<hbm>>
    %dma_wait3A_401 = arith.constant 0 : i32
    %dma_wait3A_402 = arith.constant 0 : i32
    %dma_wait3A_403 = tpu.memref_slice %arg6[%dma_wait3A_392, %dma_wait3A_401, %dma_wait3A_402] : memref<3x1024x32xf32, #tpu.memory_space<vmem>> -> memref<1x1024x32xf32, #tpu.memory_space<vmem>>
    %dma_wait3A_404 = tpu.memref_squeeze %dma_wait3A_403 : memref<1x1024x32xf32, #tpu.memory_space<vmem>> -> memref<1024x32xf32, #tpu.memory_space<vmem>>
    tpu.wait_dma2 semaphore(%arg11 : memref<!tpu.dma_semaphore, #tpu.memory_space<semaphore_mem>>) src(%dma_wait3A_404 : memref<1024x32xf32, #tpu.memory_space<vmem>>) dst(%dma_wait3A_400 : memref<1024x32xf32, #tpu.memory_space<hbm>>)
    %dma_start3A_405 = arith.constant 1 : i32
    %dma_start3A_406 = arith.constant 0 : i32
    %dma_start3A_407 = arith.constant 0 : i32
    %dma_start3A_408 = tpu.memref_slice %arg6[%dma_start3A_405, %dma_start3A_406, %dma_start3A_407] : memref<3x1024x32xf32, #tpu.memory_space<vmem>> -> memref<1x1024x32xf32, #tpu.memory_space<vmem>>
    %dma_start3A_409 = tpu.memref_squeeze %dma_start3A_408 : memref<1x1024x32xf32, #tpu.memory_space<vmem>> -> memref<1024x32xf32, #tpu.memory_space<vmem>>
    %dma_start3A_410 = arith.constant 10240 : i32
    %dma_start3A_411 = tpu.memref_slice %arg5[%dma_start3A_410] : memref<13312xi32, #tpu.memory_space<vmem>> -> memref<1024xi32, #tpu.memory_space<vmem>>
    %dma_start3A_412 = arith.constant 0 : i32
    %dma_start3A_413 = arith.constant 0 : i32
    %dma_start3A_414 = tpu.memref_slice %arg3[%dma_start3A_412, %dma_start3A_413] : memref<1000000x32xf32, #tpu.memory_space<hbm>> -> memref<1000000x32xf32, #tpu.memory_space<hbm>>
    tpu.enqueue_indirect_dma source(%dma_start3A_414 : memref<1000000x32xf32, #tpu.memory_space<hbm>>) target(%dma_start3A_409 : memref<1024x32xf32, #tpu.memory_space<vmem>>) offsets(%dma_start3A_411 : memref<1024xi32, #tpu.memory_space<vmem>>) semaphore(%arg8 : memref<!tpu.dma_semaphore, #tpu.memory_space<semaphore_mem>>)
    %dma_wait3A_415 = arith.constant 2 : i32
    %dma_wait3A_416 = arith.constant 0 : i32
    %dma_wait3A_417 = arith.constant 0 : i32
    %dma_wait3A_418 = tpu.memref_slice %arg6[%dma_wait3A_415, %dma_wait3A_416, %dma_wait3A_417] : memref<3x1024x32xf32, #tpu.memory_space<vmem>> -> memref<1x1024x32xf32, #tpu.memory_space<vmem>>
    %dma_wait3A_419 = tpu.memref_squeeze %dma_wait3A_418 : memref<1x1024x32xf32, #tpu.memory_space<vmem>> -> memref<1024x32xf32, #tpu.memory_space<vmem>>
    %dma_wait3A_420 = arith.constant 8192 : i32
    %dma_wait3A_421 = tpu.memref_slice %arg5[%dma_wait3A_420] : memref<13312xi32, #tpu.memory_space<vmem>> -> memref<1024xi32, #tpu.memory_space<vmem>>
    %dma_wait3A_422 = arith.constant 0 : i32
    %dma_wait3A_423 = arith.constant 0 : i32
    %dma_wait3A_424 = tpu.memref_slice %arg3[%dma_wait3A_422, %dma_wait3A_423] : memref<1000000x32xf32, #tpu.memory_space<hbm>> -> memref<1000000x32xf32, #tpu.memory_space<hbm>>
    tpu.wait_indirect_dma semaphore(%arg9 : memref<!tpu.dma_semaphore, #tpu.memory_space<semaphore_mem>>) src(%dma_wait3A_424 : memref<1000000x32xf32, #tpu.memory_space<hbm>>) dst(%dma_wait3A_419 : memref<1024x32xf32, #tpu.memory_space<vmem>>)
    %add3A_425 = arith.constant 8192 : i32
    %add3A_426 = arith.addi %mul3A_2, %add3A_425 : i32
    %dma_start3A_427 = arith.constant 2 : i32
    %dma_start3A_428 = arith.constant 0 : i32
    %dma_start3A_429 = arith.constant 0 : i32
    %dma_start3A_430 = tpu.memref_slice %arg6[%dma_start3A_427, %dma_start3A_428, %dma_start3A_429] : memref<3x1024x32xf32, #tpu.memory_space<vmem>> -> memref<1x1024x32xf32, #tpu.memory_space<vmem>>
    %dma_start3A_431 = tpu.memref_squeeze %dma_start3A_430 : memref<1x1024x32xf32, #tpu.memory_space<vmem>> -> memref<1024x32xf32, #tpu.memory_space<vmem>>
    %dma_start3A_432 = arith.constant 0 : i32
    %dma_start3A_433 = tpu.memref_slice %arg4[%add3A_426, %dma_start3A_432] : memref<425984x32xf32, #tpu.memory_space<hbm>> -> memref<1024x32xf32, #tpu.memory_space<hbm>>
    %dma_start3A_434 = arith.constant 0 : i32
    %dma_start3A_435 = tpu.memref_slice %arg4[%add3A_426, %dma_start3A_434] : memref<425984x32xf32, #tpu.memory_space<hbm>> -> memref<1024x32xf32, #tpu.memory_space<hbm>>
    %dma_start3A_436 = arith.constant 0 : i32
    %dma_start3A_437 = arith.constant 0 : i32
    %dma_start3A_438 = tpu.memref_slice %arg6[%dma_start3A_427, %dma_start3A_436, %dma_start3A_437] : memref<3x1024x32xf32, #tpu.memory_space<vmem>> -> memref<1x1024x32xf32, #tpu.memory_space<vmem>>
    %dma_start3A_439 = tpu.memref_squeeze %dma_start3A_438 : memref<1x1024x32xf32, #tpu.memory_space<vmem>> -> memref<1024x32xf32, #tpu.memory_space<vmem>>
    tpu.enqueue_dma source(%dma_start3A_439 : memref<1024x32xf32, #tpu.memory_space<vmem>>) target(%dma_start3A_435 : memref<1024x32xf32, #tpu.memory_space<hbm>>) target_semaphore(%arg12 : memref<!tpu.dma_semaphore, #tpu.memory_space<semaphore_mem>>)
    %dma_wait3A_440 = arith.constant 2 : i32
    %dma_wait3A_441 = arith.constant 0 : i32
    %dma_wait3A_442 = arith.constant 0 : i32
    %dma_wait3A_443 = tpu.memref_slice %arg6[%dma_wait3A_440, %dma_wait3A_441, %dma_wait3A_442] : memref<3x1024x32xf32, #tpu.memory_space<vmem>> -> memref<1x1024x32xf32, #tpu.memory_space<vmem>>
    %dma_wait3A_444 = tpu.memref_squeeze %dma_wait3A_443 : memref<1x1024x32xf32, #tpu.memory_space<vmem>> -> memref<1024x32xf32, #tpu.memory_space<vmem>>
    %dma_wait3A_445 = arith.constant 0 : i32
    %dma_wait3A_446 = tpu.memref_slice %arg4[%add3A_426, %dma_wait3A_445] : memref<425984x32xf32, #tpu.memory_space<hbm>> -> memref<1024x32xf32, #tpu.memory_space<hbm>>
    %dma_wait3A_447 = arith.constant 0 : i32
    %dma_wait3A_448 = tpu.memref_slice %arg4[%add3A_426, %dma_wait3A_447] : memref<425984x32xf32, #tpu.memory_space<hbm>> -> memref<1024x32xf32, #tpu.memory_space<hbm>>
    %dma_wait3A_449 = arith.constant 0 : i32
    %dma_wait3A_450 = arith.constant 0 : i32
    %dma_wait3A_451 = tpu.memref_slice %arg6[%dma_wait3A_440, %dma_wait3A_449, %dma_wait3A_450] : memref<3x1024x32xf32, #tpu.memory_space<vmem>> -> memref<1x1024x32xf32, #tpu.memory_space<vmem>>
    %dma_wait3A_452 = tpu.memref_squeeze %dma_wait3A_451 : memref<1x1024x32xf32, #tpu.memory_space<vmem>> -> memref<1024x32xf32, #tpu.memory_space<vmem>>
    tpu.wait_dma2 semaphore(%arg12 : memref<!tpu.dma_semaphore, #tpu.memory_space<semaphore_mem>>) src(%dma_wait3A_452 : memref<1024x32xf32, #tpu.memory_space<vmem>>) dst(%dma_wait3A_448 : memref<1024x32xf32, #tpu.memory_space<hbm>>)
    %dma_start3A_453 = arith.constant 2 : i32
    %dma_start3A_454 = arith.constant 0 : i32
    %dma_start3A_455 = arith.constant 0 : i32
    %dma_start3A_456 = tpu.memref_slice %arg6[%dma_start3A_453, %dma_start3A_454, %dma_start3A_455] : memref<3x1024x32xf32, #tpu.memory_space<vmem>> -> memref<1x1024x32xf32, #tpu.memory_space<vmem>>
    %dma_start3A_457 = tpu.memref_squeeze %dma_start3A_456 : memref<1x1024x32xf32, #tpu.memory_space<vmem>> -> memref<1024x32xf32, #tpu.memory_space<vmem>>
    %dma_start3A_458 = arith.constant 11264 : i32
    %dma_start3A_459 = tpu.memref_slice %arg5[%dma_start3A_458] : memref<13312xi32, #tpu.memory_space<vmem>> -> memref<1024xi32, #tpu.memory_space<vmem>>
    %dma_start3A_460 = arith.constant 0 : i32
    %dma_start3A_461 = arith.constant 0 : i32
    %dma_start3A_462 = tpu.memref_slice %arg3[%dma_start3A_460, %dma_start3A_461] : memref<1000000x32xf32, #tpu.memory_space<hbm>> -> memref<1000000x32xf32, #tpu.memory_space<hbm>>
    tpu.enqueue_indirect_dma source(%dma_start3A_462 : memref<1000000x32xf32, #tpu.memory_space<hbm>>) target(%dma_start3A_457 : memref<1024x32xf32, #tpu.memory_space<vmem>>) offsets(%dma_start3A_459 : memref<1024xi32, #tpu.memory_space<vmem>>) semaphore(%arg9 : memref<!tpu.dma_semaphore, #tpu.memory_space<semaphore_mem>>)
    %dma_wait3A_463 = arith.constant 0 : i32
    %dma_wait3A_464 = arith.constant 0 : i32
    %dma_wait3A_465 = arith.constant 0 : i32
    %dma_wait3A_466 = tpu.memref_slice %arg6[%dma_wait3A_463, %dma_wait3A_464, %dma_wait3A_465] : memref<3x1024x32xf32, #tpu.memory_space<vmem>> -> memref<1x1024x32xf32, #tpu.memory_space<vmem>>
    %dma_wait3A_467 = tpu.memref_squeeze %dma_wait3A_466 : memref<1x1024x32xf32, #tpu.memory_space<vmem>> -> memref<1024x32xf32, #tpu.memory_space<vmem>>
    %dma_wait3A_468 = arith.constant 9216 : i32
    %dma_wait3A_469 = tpu.memref_slice %arg5[%dma_wait3A_468] : memref<13312xi32, #tpu.memory_space<vmem>> -> memref<1024xi32, #tpu.memory_space<vmem>>
    %dma_wait3A_470 = arith.constant 0 : i32
    %dma_wait3A_471 = arith.constant 0 : i32
    %dma_wait3A_472 = tpu.memref_slice %arg3[%dma_wait3A_470, %dma_wait3A_471] : memref<1000000x32xf32, #tpu.memory_space<hbm>> -> memref<1000000x32xf32, #tpu.memory_space<hbm>>
    tpu.wait_indirect_dma semaphore(%arg7 : memref<!tpu.dma_semaphore, #tpu.memory_space<semaphore_mem>>) src(%dma_wait3A_472 : memref<1000000x32xf32, #tpu.memory_space<hbm>>) dst(%dma_wait3A_467 : memref<1024x32xf32, #tpu.memory_space<vmem>>)
    %add3A_473 = arith.constant 9216 : i32
    %add3A_474 = arith.addi %mul3A_2, %add3A_473 : i32
    %dma_start3A_475 = arith.constant 0 : i32
    %dma_start3A_476 = arith.constant 0 : i32
    %dma_start3A_477 = arith.constant 0 : i32
    %dma_start3A_478 = tpu.memref_slice %arg6[%dma_start3A_475, %dma_start3A_476, %dma_start3A_477] : memref<3x1024x32xf32, #tpu.memory_space<vmem>> -> memref<1x1024x32xf32, #tpu.memory_space<vmem>>
    %dma_start3A_479 = tpu.memref_squeeze %dma_start3A_478 : memref<1x1024x32xf32, #tpu.memory_space<vmem>> -> memref<1024x32xf32, #tpu.memory_space<vmem>>
    %dma_start3A_480 = arith.constant 0 : i32
    %dma_start3A_481 = tpu.memref_slice %arg4[%add3A_474, %dma_start3A_480] : memref<425984x32xf32, #tpu.memory_space<hbm>> -> memref<1024x32xf32, #tpu.memory_space<hbm>>
    %dma_start3A_482 = arith.constant 0 : i32
    %dma_start3A_483 = tpu.memref_slice %arg4[%add3A_474, %dma_start3A_482] : memref<425984x32xf32, #tpu.memory_space<hbm>> -> memref<1024x32xf32, #tpu.memory_space<hbm>>
    %dma_start3A_484 = arith.constant 0 : i32
    %dma_start3A_485 = arith.constant 0 : i32
    %dma_start3A_486 = tpu.memref_slice %arg6[%dma_start3A_475, %dma_start3A_484, %dma_start3A_485] : memref<3x1024x32xf32, #tpu.memory_space<vmem>> -> memref<1x1024x32xf32, #tpu.memory_space<vmem>>
    %dma_start3A_487 = tpu.memref_squeeze %dma_start3A_486 : memref<1x1024x32xf32, #tpu.memory_space<vmem>> -> memref<1024x32xf32, #tpu.memory_space<vmem>>
    tpu.enqueue_dma source(%dma_start3A_487 : memref<1024x32xf32, #tpu.memory_space<vmem>>) target(%dma_start3A_483 : memref<1024x32xf32, #tpu.memory_space<hbm>>) target_semaphore(%arg10 : memref<!tpu.dma_semaphore, #tpu.memory_space<semaphore_mem>>)
    %dma_wait3A_488 = arith.constant 0 : i32
    %dma_wait3A_489 = arith.constant 0 : i32
    %dma_wait3A_490 = arith.constant 0 : i32
    %dma_wait3A_491 = tpu.memref_slice %arg6[%dma_wait3A_488, %dma_wait3A_489, %dma_wait3A_490] : memref<3x1024x32xf32, #tpu.memory_space<vmem>> -> memref<1x1024x32xf32, #tpu.memory_space<vmem>>
    %dma_wait3A_492 = tpu.memref_squeeze %dma_wait3A_491 : memref<1x1024x32xf32, #tpu.memory_space<vmem>> -> memref<1024x32xf32, #tpu.memory_space<vmem>>
    %dma_wait3A_493 = arith.constant 0 : i32
    %dma_wait3A_494 = tpu.memref_slice %arg4[%add3A_474, %dma_wait3A_493] : memref<425984x32xf32, #tpu.memory_space<hbm>> -> memref<1024x32xf32, #tpu.memory_space<hbm>>
    %dma_wait3A_495 = arith.constant 0 : i32
    %dma_wait3A_496 = tpu.memref_slice %arg4[%add3A_474, %dma_wait3A_495] : memref<425984x32xf32, #tpu.memory_space<hbm>> -> memref<1024x32xf32, #tpu.memory_space<hbm>>
    %dma_wait3A_497 = arith.constant 0 : i32
    %dma_wait3A_498 = arith.constant 0 : i32
    %dma_wait3A_499 = tpu.memref_slice %arg6[%dma_wait3A_488, %dma_wait3A_497, %dma_wait3A_498] : memref<3x1024x32xf32, #tpu.memory_space<vmem>> -> memref<1x1024x32xf32, #tpu.memory_space<vmem>>
    %dma_wait3A_500 = tpu.memref_squeeze %dma_wait3A_499 : memref<1x1024x32xf32, #tpu.memory_space<vmem>> -> memref<1024x32xf32, #tpu.memory_space<vmem>>
    tpu.wait_dma2 semaphore(%arg10 : memref<!tpu.dma_semaphore, #tpu.memory_space<semaphore_mem>>) src(%dma_wait3A_500 : memref<1024x32xf32, #tpu.memory_space<vmem>>) dst(%dma_wait3A_496 : memref<1024x32xf32, #tpu.memory_space<hbm>>)
    %dma_start3A_501 = arith.constant 0 : i32
    %dma_start3A_502 = arith.constant 0 : i32
    %dma_start3A_503 = arith.constant 0 : i32
    %dma_start3A_504 = tpu.memref_slice %arg6[%dma_start3A_501, %dma_start3A_502, %dma_start3A_503] : memref<3x1024x32xf32, #tpu.memory_space<vmem>> -> memref<1x1024x32xf32, #tpu.memory_space<vmem>>
    %dma_start3A_505 = tpu.memref_squeeze %dma_start3A_504 : memref<1x1024x32xf32, #tpu.memory_space<vmem>> -> memref<1024x32xf32, #tpu.memory_space<vmem>>
    %dma_start3A_506 = arith.constant 12288 : i32
    %dma_start3A_507 = tpu.memref_slice %arg5[%dma_start3A_506] : memref<13312xi32, #tpu.memory_space<vmem>> -> memref<1024xi32, #tpu.memory_space<vmem>>
    %dma_start3A_508 = arith.constant 0 : i32
    %dma_start3A_509 = arith.constant 0 : i32
    %dma_start3A_510 = tpu.memref_slice %arg3[%dma_start3A_508, %dma_start3A_509] : memref<1000000x32xf32, #tpu.memory_space<hbm>> -> memref<1000000x32xf32, #tpu.memory_space<hbm>>
    tpu.enqueue_indirect_dma source(%dma_start3A_510 : memref<1000000x32xf32, #tpu.memory_space<hbm>>) target(%dma_start3A_505 : memref<1024x32xf32, #tpu.memory_space<vmem>>) offsets(%dma_start3A_507 : memref<1024xi32, #tpu.memory_space<vmem>>) semaphore(%arg7 : memref<!tpu.dma_semaphore, #tpu.memory_space<semaphore_mem>>)
    %dma_wait3A_511 = arith.constant 1 : i32
    %dma_wait3A_512 = arith.constant 0 : i32
    %dma_wait3A_513 = arith.constant 0 : i32
    %dma_wait3A_514 = tpu.memref_slice %arg6[%dma_wait3A_511, %dma_wait3A_512, %dma_wait3A_513] : memref<3x1024x32xf32, #tpu.memory_space<vmem>> -> memref<1x1024x32xf32, #tpu.memory_space<vmem>>
    %dma_wait3A_515 = tpu.memref_squeeze %dma_wait3A_514 : memref<1x1024x32xf32, #tpu.memory_space<vmem>> -> memref<1024x32xf32, #tpu.memory_space<vmem>>
    %dma_wait3A_516 = arith.constant 10240 : i32
    %dma_wait3A_517 = tpu.memref_slice %arg5[%dma_wait3A_516] : memref<13312xi32, #tpu.memory_space<vmem>> -> memref<1024xi32, #tpu.memory_space<vmem>>
    %dma_wait3A_518 = arith.constant 0 : i32
    %dma_wait3A_519 = arith.constant 0 : i32
    %dma_wait3A_520 = tpu.memref_slice %arg3[%dma_wait3A_518, %dma_wait3A_519] : memref<1000000x32xf32, #tpu.memory_space<hbm>> -> memref<1000000x32xf32, #tpu.memory_space<hbm>>
    tpu.wait_indirect_dma semaphore(%arg8 : memref<!tpu.dma_semaphore, #tpu.memory_space<semaphore_mem>>) src(%dma_wait3A_520 : memref<1000000x32xf32, #tpu.memory_space<hbm>>) dst(%dma_wait3A_515 : memref<1024x32xf32, #tpu.memory_space<vmem>>)
    %add3A_521 = arith.constant 10240 : i32
    %add3A_522 = arith.addi %mul3A_2, %add3A_521 : i32
    %dma_start3A_523 = arith.constant 1 : i32
    %dma_start3A_524 = arith.constant 0 : i32
    %dma_start3A_525 = arith.constant 0 : i32
    %dma_start3A_526 = tpu.memref_slice %arg6[%dma_start3A_523, %dma_start3A_524, %dma_start3A_525] : memref<3x1024x32xf32, #tpu.memory_space<vmem>> -> memref<1x1024x32xf32, #tpu.memory_space<vmem>>
    %dma_start3A_527 = tpu.memref_squeeze %dma_start3A_526 : memref<1x1024x32xf32, #tpu.memory_space<vmem>> -> memref<1024x32xf32, #tpu.memory_space<vmem>>
    %dma_start3A_528 = arith.constant 0 : i32
    %dma_start3A_529 = tpu.memref_slice %arg4[%add3A_522, %dma_start3A_528] : memref<425984x32xf32, #tpu.memory_space<hbm>> -> memref<1024x32xf32, #tpu.memory_space<hbm>>
    %dma_start3A_530 = arith.constant 0 : i32
    %dma_start3A_531 = tpu.memref_slice %arg4[%add3A_522, %dma_start3A_530] : memref<425984x32xf32, #tpu.memory_space<hbm>> -> memref<1024x32xf32, #tpu.memory_space<hbm>>
    %dma_start3A_532 = arith.constant 0 : i32
    %dma_start3A_533 = arith.constant 0 : i32
    %dma_start3A_534 = tpu.memref_slice %arg6[%dma_start3A_523, %dma_start3A_532, %dma_start3A_533] : memref<3x1024x32xf32, #tpu.memory_space<vmem>> -> memref<1x1024x32xf32, #tpu.memory_space<vmem>>
    %dma_start3A_535 = tpu.memref_squeeze %dma_start3A_534 : memref<1x1024x32xf32, #tpu.memory_space<vmem>> -> memref<1024x32xf32, #tpu.memory_space<vmem>>
    tpu.enqueue_dma source(%dma_start3A_535 : memref<1024x32xf32, #tpu.memory_space<vmem>>) target(%dma_start3A_531 : memref<1024x32xf32, #tpu.memory_space<hbm>>) target_semaphore(%arg11 : memref<!tpu.dma_semaphore, #tpu.memory_space<semaphore_mem>>)
    %dma_wait3A_536 = arith.constant 2 : i32
    %dma_wait3A_537 = arith.constant 0 : i32
    %dma_wait3A_538 = arith.constant 0 : i32
    %dma_wait3A_539 = tpu.memref_slice %arg6[%dma_wait3A_536, %dma_wait3A_537, %dma_wait3A_538] : memref<3x1024x32xf32, #tpu.memory_space<vmem>> -> memref<1x1024x32xf32, #tpu.memory_space<vmem>>
    %dma_wait3A_540 = tpu.memref_squeeze %dma_wait3A_539 : memref<1x1024x32xf32, #tpu.memory_space<vmem>> -> memref<1024x32xf32, #tpu.memory_space<vmem>>
    %dma_wait3A_541 = arith.constant 11264 : i32
    %dma_wait3A_542 = tpu.memref_slice %arg5[%dma_wait3A_541] : memref<13312xi32, #tpu.memory_space<vmem>> -> memref<1024xi32, #tpu.memory_space<vmem>>
    %dma_wait3A_543 = arith.constant 0 : i32
    %dma_wait3A_544 = arith.constant 0 : i32
    %dma_wait3A_545 = tpu.memref_slice %arg3[%dma_wait3A_543, %dma_wait3A_544] : memref<1000000x32xf32, #tpu.memory_space<hbm>> -> memref<1000000x32xf32, #tpu.memory_space<hbm>>
    tpu.wait_indirect_dma semaphore(%arg9 : memref<!tpu.dma_semaphore, #tpu.memory_space<semaphore_mem>>) src(%dma_wait3A_545 : memref<1000000x32xf32, #tpu.memory_space<hbm>>) dst(%dma_wait3A_540 : memref<1024x32xf32, #tpu.memory_space<vmem>>)
    %add3A_546 = arith.constant 11264 : i32
    %add3A_547 = arith.addi %mul3A_2, %add3A_546 : i32
    %dma_start3A_548 = arith.constant 2 : i32
    %dma_start3A_549 = arith.constant 0 : i32
    %dma_start3A_550 = arith.constant 0 : i32
    %dma_start3A_551 = tpu.memref_slice %arg6[%dma_start3A_548, %dma_start3A_549, %dma_start3A_550] : memref<3x1024x32xf32, #tpu.memory_space<vmem>> -> memref<1x1024x32xf32, #tpu.memory_space<vmem>>
    %dma_start3A_552 = tpu.memref_squeeze %dma_start3A_551 : memref<1x1024x32xf32, #tpu.memory_space<vmem>> -> memref<1024x32xf32, #tpu.memory_space<vmem>>
    %dma_start3A_553 = arith.constant 0 : i32
    %dma_start3A_554 = tpu.memref_slice %arg4[%add3A_547, %dma_start3A_553] : memref<425984x32xf32, #tpu.memory_space<hbm>> -> memref<1024x32xf32, #tpu.memory_space<hbm>>
    %dma_start3A_555 = arith.constant 0 : i32
    %dma_start3A_556 = tpu.memref_slice %arg4[%add3A_547, %dma_start3A_555] : memref<425984x32xf32, #tpu.memory_space<hbm>> -> memref<1024x32xf32, #tpu.memory_space<hbm>>
    %dma_start3A_557 = arith.constant 0 : i32
    %dma_start3A_558 = arith.constant 0 : i32
    %dma_start3A_559 = tpu.memref_slice %arg6[%dma_start3A_548, %dma_start3A_557, %dma_start3A_558] : memref<3x1024x32xf32, #tpu.memory_space<vmem>> -> memref<1x1024x32xf32, #tpu.memory_space<vmem>>
    %dma_start3A_560 = tpu.memref_squeeze %dma_start3A_559 : memref<1x1024x32xf32, #tpu.memory_space<vmem>> -> memref<1024x32xf32, #tpu.memory_space<vmem>>
    tpu.enqueue_dma source(%dma_start3A_560 : memref<1024x32xf32, #tpu.memory_space<vmem>>) target(%dma_start3A_556 : memref<1024x32xf32, #tpu.memory_space<hbm>>) target_semaphore(%arg12 : memref<!tpu.dma_semaphore, #tpu.memory_space<semaphore_mem>>)
    %dma_wait3A_561 = arith.constant 0 : i32
    %dma_wait3A_562 = arith.constant 0 : i32
    %dma_wait3A_563 = arith.constant 0 : i32
    %dma_wait3A_564 = tpu.memref_slice %arg6[%dma_wait3A_561, %dma_wait3A_562, %dma_wait3A_563] : memref<3x1024x32xf32, #tpu.memory_space<vmem>> -> memref<1x1024x32xf32, #tpu.memory_space<vmem>>
    %dma_wait3A_565 = tpu.memref_squeeze %dma_wait3A_564 : memref<1x1024x32xf32, #tpu.memory_space<vmem>> -> memref<1024x32xf32, #tpu.memory_space<vmem>>
    %dma_wait3A_566 = arith.constant 12288 : i32
    %dma_wait3A_567 = tpu.memref_slice %arg5[%dma_wait3A_566] : memref<13312xi32, #tpu.memory_space<vmem>> -> memref<1024xi32, #tpu.memory_space<vmem>>
    %dma_wait3A_568 = arith.constant 0 : i32
    %dma_wait3A_569 = arith.constant 0 : i32
    %dma_wait3A_570 = tpu.memref_slice %arg3[%dma_wait3A_568, %dma_wait3A_569] : memref<1000000x32xf32, #tpu.memory_space<hbm>> -> memref<1000000x32xf32, #tpu.memory_space<hbm>>
    tpu.wait_indirect_dma semaphore(%arg7 : memref<!tpu.dma_semaphore, #tpu.memory_space<semaphore_mem>>) src(%dma_wait3A_570 : memref<1000000x32xf32, #tpu.memory_space<hbm>>) dst(%dma_wait3A_565 : memref<1024x32xf32, #tpu.memory_space<vmem>>)
    %add3A_571 = arith.constant 12288 : i32
    %add3A_572 = arith.addi %mul3A_2, %add3A_571 : i32
    %dma_start3A_573 = arith.constant 0 : i32
    %dma_start3A_574 = arith.constant 0 : i32
    %dma_start3A_575 = arith.constant 0 : i32
    %dma_start3A_576 = tpu.memref_slice %arg6[%dma_start3A_573, %dma_start3A_574, %dma_start3A_575] : memref<3x1024x32xf32, #tpu.memory_space<vmem>> -> memref<1x1024x32xf32, #tpu.memory_space<vmem>>
    %dma_start3A_577 = tpu.memref_squeeze %dma_start3A_576 : memref<1x1024x32xf32, #tpu.memory_space<vmem>> -> memref<1024x32xf32, #tpu.memory_space<vmem>>
    %dma_start3A_578 = arith.constant 0 : i32
    %dma_start3A_579 = tpu.memref_slice %arg4[%add3A_572, %dma_start3A_578] : memref<425984x32xf32, #tpu.memory_space<hbm>> -> memref<1024x32xf32, #tpu.memory_space<hbm>>
    %dma_start3A_580 = arith.constant 0 : i32
    %dma_start3A_581 = tpu.memref_slice %arg4[%add3A_572, %dma_start3A_580] : memref<425984x32xf32, #tpu.memory_space<hbm>> -> memref<1024x32xf32, #tpu.memory_space<hbm>>
    %dma_start3A_582 = arith.constant 0 : i32
    %dma_start3A_583 = arith.constant 0 : i32
    %dma_start3A_584 = tpu.memref_slice %arg6[%dma_start3A_573, %dma_start3A_582, %dma_start3A_583] : memref<3x1024x32xf32, #tpu.memory_space<vmem>> -> memref<1x1024x32xf32, #tpu.memory_space<vmem>>
    %dma_start3A_585 = tpu.memref_squeeze %dma_start3A_584 : memref<1x1024x32xf32, #tpu.memory_space<vmem>> -> memref<1024x32xf32, #tpu.memory_space<vmem>>
    tpu.enqueue_dma source(%dma_start3A_585 : memref<1024x32xf32, #tpu.memory_space<vmem>>) target(%dma_start3A_581 : memref<1024x32xf32, #tpu.memory_space<hbm>>) target_semaphore(%arg10 : memref<!tpu.dma_semaphore, #tpu.memory_space<semaphore_mem>>)
    %dma_wait3A_586 = arith.constant 1 : i32
    %dma_wait3A_587 = arith.constant 0 : i32
    %dma_wait3A_588 = arith.constant 0 : i32
    %dma_wait3A_589 = tpu.memref_slice %arg6[%dma_wait3A_586, %dma_wait3A_587, %dma_wait3A_588] : memref<3x1024x32xf32, #tpu.memory_space<vmem>> -> memref<1x1024x32xf32, #tpu.memory_space<vmem>>
    %dma_wait3A_590 = tpu.memref_squeeze %dma_wait3A_589 : memref<1x1024x32xf32, #tpu.memory_space<vmem>> -> memref<1024x32xf32, #tpu.memory_space<vmem>>
    %dma_wait3A_591 = arith.constant 0 : i32
    %dma_wait3A_592 = tpu.memref_slice %arg4[%add3A_522, %dma_wait3A_591] : memref<425984x32xf32, #tpu.memory_space<hbm>> -> memref<1024x32xf32, #tpu.memory_space<hbm>>
    %dma_wait3A_593 = arith.constant 0 : i32
    %dma_wait3A_594 = tpu.memref_slice %arg4[%add3A_522, %dma_wait3A_593] : memref<425984x32xf32, #tpu.memory_space<hbm>> -> memref<1024x32xf32, #tpu.memory_space<hbm>>
    %dma_wait3A_595 = arith.constant 0 : i32
    %dma_wait3A_596 = arith.constant 0 : i32
    %dma_wait3A_597 = tpu.memref_slice %arg6[%dma_wait3A_586, %dma_wait3A_595, %dma_wait3A_596] : memref<3x1024x32xf32, #tpu.memory_space<vmem>> -> memref<1x1024x32xf32, #tpu.memory_space<vmem>>
    %dma_wait3A_598 = tpu.memref_squeeze %dma_wait3A_597 : memref<1x1024x32xf32, #tpu.memory_space<vmem>> -> memref<1024x32xf32, #tpu.memory_space<vmem>>
    tpu.wait_dma2 semaphore(%arg11 : memref<!tpu.dma_semaphore, #tpu.memory_space<semaphore_mem>>) src(%dma_wait3A_598 : memref<1024x32xf32, #tpu.memory_space<vmem>>) dst(%dma_wait3A_594 : memref<1024x32xf32, #tpu.memory_space<hbm>>)
    %dma_wait3A_599 = arith.constant 2 : i32
    %dma_wait3A_600 = arith.constant 0 : i32
    %dma_wait3A_601 = arith.constant 0 : i32
    %dma_wait3A_602 = tpu.memref_slice %arg6[%dma_wait3A_599, %dma_wait3A_600, %dma_wait3A_601] : memref<3x1024x32xf32, #tpu.memory_space<vmem>> -> memref<1x1024x32xf32, #tpu.memory_space<vmem>>
    %dma_wait3A_603 = tpu.memref_squeeze %dma_wait3A_602 : memref<1x1024x32xf32, #tpu.memory_space<vmem>> -> memref<1024x32xf32, #tpu.memory_space<vmem>>
    %dma_wait3A_604 = arith.constant 0 : i32
    %dma_wait3A_605 = tpu.memref_slice %arg4[%add3A_547, %dma_wait3A_604] : memref<425984x32xf32, #tpu.memory_space<hbm>> -> memref<1024x32xf32, #tpu.memory_space<hbm>>
    %dma_wait3A_606 = arith.constant 0 : i32
    %dma_wait3A_607 = tpu.memref_slice %arg4[%add3A_547, %dma_wait3A_606] : memref<425984x32xf32, #tpu.memory_space<hbm>> -> memref<1024x32xf32, #tpu.memory_space<hbm>>
    %dma_wait3A_608 = arith.constant 0 : i32
    %dma_wait3A_609 = arith.constant 0 : i32
    %dma_wait3A_610 = tpu.memref_slice %arg6[%dma_wait3A_599, %dma_wait3A_608, %dma_wait3A_609] : memref<3x1024x32xf32, #tpu.memory_space<vmem>> -> memref<1x1024x32xf32, #tpu.memory_space<vmem>>
    %dma_wait3A_611 = tpu.memref_squeeze %dma_wait3A_610 : memref<1x1024x32xf32, #tpu.memory_space<vmem>> -> memref<1024x32xf32, #tpu.memory_space<vmem>>
    tpu.wait_dma2 semaphore(%arg12 : memref<!tpu.dma_semaphore, #tpu.memory_space<semaphore_mem>>) src(%dma_wait3A_611 : memref<1024x32xf32, #tpu.memory_space<vmem>>) dst(%dma_wait3A_607 : memref<1024x32xf32, #tpu.memory_space<hbm>>)
    %dma_wait3A_612 = arith.constant 0 : i32
    %dma_wait3A_613 = arith.constant 0 : i32
    %dma_wait3A_614 = arith.constant 0 : i32
    %dma_wait3A_615 = tpu.memref_slice %arg6[%dma_wait3A_612, %dma_wait3A_613, %dma_wait3A_614] : memref<3x1024x32xf32, #tpu.memory_space<vmem>> -> memref<1x1024x32xf32, #tpu.memory_space<vmem>>
    %dma_wait3A_616 = tpu.memref_squeeze %dma_wait3A_615 : memref<1x1024x32xf32, #tpu.memory_space<vmem>> -> memref<1024x32xf32, #tpu.memory_space<vmem>>
    %dma_wait3A_617 = arith.constant 0 : i32
    %dma_wait3A_618 = tpu.memref_slice %arg4[%add3A_572, %dma_wait3A_617] : memref<425984x32xf32, #tpu.memory_space<hbm>> -> memref<1024x32xf32, #tpu.memory_space<hbm>>
    %dma_wait3A_619 = arith.constant 0 : i32
    %dma_wait3A_620 = tpu.memref_slice %arg4[%add3A_572, %dma_wait3A_619] : memref<425984x32xf32, #tpu.memory_space<hbm>> -> memref<1024x32xf32, #tpu.memory_space<hbm>>
    %dma_wait3A_621 = arith.constant 0 : i32
    %dma_wait3A_622 = arith.constant 0 : i32
    %dma_wait3A_623 = tpu.memref_slice %arg6[%dma_wait3A_612, %dma_wait3A_621, %dma_wait3A_622] : memref<3x1024x32xf32, #tpu.memory_space<vmem>> -> memref<1x1024x32xf32, #tpu.memory_space<vmem>>
    %dma_wait3A_624 = tpu.memref_squeeze %dma_wait3A_623 : memref<1x1024x32xf32, #tpu.memory_space<vmem>> -> memref<1024x32xf32, #tpu.memory_space<vmem>>
    tpu.wait_dma2 semaphore(%arg10 : memref<!tpu.dma_semaphore, #tpu.memory_space<semaphore_mem>>) src(%dma_wait3A_624 : memref<1024x32xf32, #tpu.memory_space<vmem>>) dst(%dma_wait3A_620 : memref<1024x32xf32, #tpu.memory_space<hbm>>)
    return
  }
}

</mosaic_0001>

<sc_bundles>
// kernel: kernel.3.cloned.1.call-start
scs
__scs_entry_jumppad:
0x0: {  	(pc) =	sbr.rel $0x88, $3  }
0x1: {  	(tag) =	ssettag $0x0;
	lr =	simm.s32 $0x1  }
0x2: {  	[smem:$0x3F9F] =	sst lr;
	_ =	strace $0xD0000000  }
0x3: {  	_ = 	snop  }
0x4: {  	_ = 	snop  }
0x5: {  	_ = 	snop  }
0x6: {  	_ = 	snop  }
0x7: {  	_ = 	snop  }
__scs_overlays_trampoline_lowered:
0x8: {  	[smem:$0x3FAE] =	sst s0  }
0x9: {  	[smem:$0x3FAF] =	sst s1  }
0xa: {  	[smem:$0x3FB0] =	sst s2  }
0xb: {  	[smem:$0x3FB1] =	sst s3  }
0xc: {  	[smem:$0x3FB2] =	sst s4  }
0xd: {  	[smem:$0x3FB3] =	sst s5  }
0xe: {  	[smem:$0x3FB4] =	sst s6  }
0xf: {  	[smem:$0x3FB5] =	sst s7  }
0x10: {  	[smem:$0x3FB6] =	sst s8  }
0x11: {  	[smem:$0x3FB7] =	sst s9;
	s0 =	simm.s32 @!p0 $0x0  }
0x12: {  	s1 =	sld [smem:$0x3F9D];
	s0 =	simm.s32 @p0 $0x1  }
0x13: {  	[smem:$0x3FB8] =	sst s0;
	s0 =	simm.s32 @!p1 $0x0  }
0x14: {  	s2 =	sld [smem:$0x3F9C];
	s0 =	simm.s32 @p1 $0x1  }
0x15: {  	[smem:$0x3FB9] =	sst s0;
	s0 =	simm.s32 @!p2 $0x0  }
0x16: {  	s3 =	sld [smem:$0x3FDB];
	s0 =	simm.s32 @p2 $0x1  }
0x17: {  	s4 =	simm.s32 $0x1BF5;
	[smem:$0x3FBB] =	sst s0  }
0x18: {  	s0 =	sld [smem:$0x3F9E];
	_ =	swait.ge [sflag:s4], $0x0  }
0x19: {  	s7 =	sld [smem:$0x3F9F]  }
0x1a: {  	s8 =	sadd.s32 $0xFFFFE003, lr  }
0x1b: {  	s9 =	sadd.s32 $0xFFFFFEF7, lr;
	s5 =	simm.s32 $0xFFFFFFFF;
	p2 =	slt.u32 s8, $0xFFFFF086  }
0x1c: {  	p1 =	slt.u32 s9, $0xF7A;
	s5 =	simm.s32 @!p2 $0x0  }
0x1d: {  	s5 =	simm.s32 @p1 $0x1;
	p0 =	seq.s32 s7, s2  }
0x1e: {  	s7 =	smul.u32 @!p0 $0xF7A, s2;
	p2 =	seq.s32 @!p0 s5, $0x0  }
0x1f: {  	s9 =	smul.u32 $0xF7A, s1;
	s8 =	simm.s32 @!p0 $0x1BF5;
	p2 =	por !p2, p0  }
0x20: {  	[sflag:s8] =	ssyncset.s32 @!p0 $0xFFFFF086;
	s6 =	sadd.s32 @!p0 s3, s7;
	s7 =	simm.s32 @!p0 $0x108  }
0x21: {  	s3 =	sadd.s32 s3, s9;
	s6 =	sadd.s32 @!p0 $0x88, s6;
	s7 =	simm.s32 @p2 $0x1082  }
0x22: {  	[simem:s7], [sflag:s8] =	dma.local @!p0 [hbm:s6], $0xF7A  }
0x23: {  	s9 =	sor.u32 $0xD0000000, s2;
	s6 =	simm.s32 $0x108;
	_ =	swait.ge @!p0 [sflag:s8], $0x0  }
0x24: {  	s3 =	sadd.s32 $0x88, s3;
	s6 =	simm.s32 @!p1 $0x1082;
	[sflag:s4] =	ssyncset.s32 $0xFFFFF086  }
0x25: {  	[simem:s6], [sflag:s4] =	dma.local [hbm:s3], $0xF7A  }
0x26: {  	[smem:$0x3F9F] =	sst s1;
	(tag) =	ssettag s2;
	_ =	strace s9  }
0x27: {  	s1 =	sld [smem:$0x3FAF]  }
0x28: {  	s2 =	sld [smem:$0x3FB0]  }
0x29: {  	s4 =	sld [smem:$0x3FB2]  }
0x2a: {  	p0 =	seq.s32 s5, $0x0;
	s5 =	sld [smem:$0x3FB3]  }
0x2b: {  	s6 =	sld [smem:$0x3FB4]  }
0x2c: {  	s7 =	sld [smem:$0x3FB5]  }
0x2d: {  	s3 =	simm.s32 $0x108;
	s8 =	sld [smem:$0x3FB6]  }
0x2e: {  	s3 =	simm.s32 @!p0 $0x1082;
	s9 =	sld [smem:$0x3FB7]  }
0x2f: {  	lr =	sadd.s32 s0, s3;
	s0 =	sld [smem:$0x3FAE]  }
0x30: {  	s3 =	sld [smem:$0x3FB1]  }
0x31: {  	[smem:$0x3FBA] =	sst s10  }
0x32: {  	s10 =	sld [smem:$0x3FB8];
	_ =	sdelay $0x3  }
0x33: {  	p0 =	seq.s32 s10, $0x1;
	s10 =	sld [smem:$0x3FBA];
	_ =	sdelay $0x3  }
0x34: {  	[smem:$0x3FBA] =	sst s10  }
0x35: {  	s10 =	sld [smem:$0x3FB9];
	_ =	sdelay $0x3  }
0x36: {  	p1 =	seq.s32 s10, $0x1;
	s10 =	sld [smem:$0x3FBA];
	_ =	sdelay $0x3  }
0x37: {  	[smem:$0x3FBA] =	sst s10  }
0x38: {  	s10 =	sld [smem:$0x3FBB]  }
0x39: {  	_ = 	snop;
	(pc) =	sbr.ind lr, $3  }
0x3a: {  	_ = 	snop  }
0x3b: {  	_ = 	snop  }
0x3c: {  	p2 =	seq.s32 s10, $0x1;
	s10 =	sld [smem:$0x3FBA]  }
0x3d: {  	_ =	shalt  }
0x3e: {  	_ =	shalt  }
0x3f: {  	_ =	shalt  }
0x40: {  	_ =	shalt  }
0x41: {  	_ =	shalt  }
0x42: {  	_ =	shalt  }
0x43: {  	_ =	shalt  }
0x44: {  	_ =	shalt  }
0x45: {  	_ =	shalt  }
0x46: {  	_ =	shalt  }
0x47: {  	_ =	shalt  }
0x48: {  	_ =	shalt  }
0x49: {  	_ =	shalt  }
0x4a: {  	_ =	shalt  }
0x4b: {  	_ =	shalt  }
0x4c: {  	_ =	shalt  }
0x4d: {  	_ =	shalt  }
0x4e: {  	_ =	shalt  }
0x4f: {  	_ =	shalt  }
0x50: {  	_ =	shalt  }
0x51: {  	_ =	shalt  }
0x52: {  	_ =	shalt  }
0x53: {  	_ =	shalt  }
0x54: {  	_ =	shalt  }
0x55: {  	_ =	shalt  }
0x56: {  	_ =	shalt  }
0x57: {  	_ =	shalt  }
0x58: {  	_ =	shalt  }
0x59: {  	_ =	shalt  }
0x5a: {  	_ =	shalt  }
0x5b: {  	_ =	shalt  }
0x5c: {  	_ =	shalt  }
0x5d: {  	_ =	shalt  }
0x5e: {  	_ =	shalt  }
0x5f: {  	_ =	shalt  }
0x60: {  	_ =	shalt  }
0x61: {  	_ =	shalt  }
0x62: {  	_ =	shalt  }
0x63: {  	_ =	shalt  }
0x64: {  	_ =	shalt  }
0x65: {  	_ =	shalt  }
0x66: {  	_ =	shalt  }
0x67: {  	_ =	shalt  }
0x68: {  	_ =	shalt  }
0x69: {  	_ =	shalt  }
0x6a: {  	_ =	shalt  }
0x6b: {  	_ =	shalt  }
0x6c: {  	_ =	shalt  }
0x6d: {  	_ =	shalt  }
0x6e: {  	_ =	shalt  }
0x6f: {  	_ =	shalt  }
0x70: {  	_ =	shalt  }
0x71: {  	_ =	shalt  }
0x72: {  	_ =	shalt  }
0x73: {  	_ =	shalt  }
0x74: {  	_ =	shalt  }
0x75: {  	_ =	shalt  }
0x76: {  	_ =	shalt  }
0x77: {  	_ =	shalt  }
0x78: {  	_ =	shalt  }
0x79: {  	_ =	shalt  }
0x7a: {  	_ =	shalt  }
0x7b: {  	_ =	shalt  }
0x7c: {  	_ =	shalt  }
0x7d: {  	_ =	shalt  }
0x7e: {  	_ =	shalt  }
0x7f: {  	_ =	shalt  }
0x80: {  	_ =	shalt  }
0x81: {  	_ =	shalt  }
0x82: {  	_ =	shalt  }
0x83: {  	_ =	shalt  }
0x84: {  	_ =	shalt  }
0x85: {  	_ =	shalt  }
0x86: {  	_ =	shalt  }
0x87: {  	_ =	shalt  }
.Lfunc_end0:
.L_simem_size_0:
called_computation.1_lowered:
.L_overlay_start_0:
0x88: {  	s2 =	sld [smem:$0x3FD9]  }
0x89: {  	s3 =	sld [smem:$0x3FFE];
	_ =	sdelay $0x1  }
0x8a: {  	s1 =	srdreg.scid  }
0x8b: {  	s0 =	sand.u32 $0x1, s1  }
0x8c: {  	s17 =	sshll.u32 s0, $0xA;
	s2 =	sadd.s32 s3, s2  }
0x8d: {  	s2 =	sadd.s32 s2, s17  }
0x8e: {  	[smem:$0x3FC6] =	sst s2  }
0x8f: {  	_ = 	snop  }
0x90: {  	s2 =	sld [smem:$0x3FD0];
	(tm) =	ssettm $0x1  }
0x91: {  	s18 =	sld [smem:$0x3FFB];
	_ =	sdelay $0x3  }
0x92: {  	_ =	strace s18  }
0x93: {  	s3 =	sld [smem:$0x3FFC];
	_ =	sdelay $0x3  }
0x94: {  	_ =	strace s3  }
0x95: {  	s3 =	sld [smem:$0x3FFD];
	_ =	sdelay $0x3  }
0x96: {  	_ =	strace s3  }
0x97: {  	_ =	strace $0x8FFFFFFF  }
0x98: {  	s19 =	sld [smem:$0x3FDB];
	_ =	sdelay $0x1  }
0x99: {  	s4 =	simm.s32 $_scs_section_size  }
0x9a: {  	s5 =	simm.s32 $_size__tile_overlayer_lowered;
	s6 =	simm.s32 $_tile_overlayer_lowered  }
0x9b: {  	s22 =	simm.s32 $0x1BFF;
	s21 =	sshll.u32 s6, $0x1;
	s3 =	sadd.s32 s4, s19  }
0x9c: {  	s7 =	simm.s32 $0x0;
	s20 =	sshll.u32 s5, $0x1;
	s5 =	sadd.s32 s21, s3  }
0x9d: {  	[timem:s7], [sflag:s22] =	dma.local [hbm:s5], s20  }
0x9e: {  	_ =	swait.ge [sflag:s22], s20  }
0x9f: {  	s4 =	ssub.s32 $0x0, s20;
	[sflag:s22] =	ssyncset.done $0x0  }
0xa0: {  	[sflag:s22] =	ssyncadd.s32 s4;
	_ =	sdelay $0x1  }
0xa1: {  	s23 =	simm.s32 $0x1B8B  }
0xa2: {  	_ =	swait.ge [sflag:s23], $0x1  }
0xa3: {  	[sflag:s23] =	ssyncset.done $0x0  }
0xa4: {  	s25 =	simm.s32 $0x1B8E;
	s24 =	sld [smem:$0x3FFE];
	[sflag:s23] =	ssyncadd.s32 $0xFFFFFFFF  }
0xa5: {  	s26 =	simm.s32 $execute0_lowered;
	[smem:$0x3FD2] =	sst s25  }
0xa6: {  	s5 =	sshll.u32 s26, $0x1;
	_ =	strace $0x80000046;
	[dreg:$0x1] =	wrdreg $0xFFFFFFFF  }
0xa7: {  	s28 =	simm.s32 $_size_execute0_lowered;
	s3 =	sadd.s32 s3, s5;
	[dreg:$0x0] =	wrdreg $0x0  }
0xa8: {  	s5 =	sshll.u32 s28, $0x1;
	[dreg:$0x2] =	wrdreg s3  }
0xa9: {  	[dreg:$0x3] =	wrdreg s5  }
0xaa: {  	[dreg:$0x4] =	wrdreg $0xC0  }
0xab: {  	_ =	task [dreg:s7], $0x5FFFF  }
0xac: {  	[dreg:$0x1] =	wrdreg $0xFFFFFFFF  }
0xad: {  	[dreg:$0x0] =	wrdreg $0x60  }
0xae: {  	[dreg:$0x2] =	wrdreg s24  }
0xaf: {  	[dreg:$0x3] =	wrdreg s2  }
0xb0: {  	[dreg:$0x4] =	wrdreg $0x9  }
0xb1: {  	_ =	task.clear_ibuf [dreg:s7], $0x5FFFF;
	_ =	strace $0x90000046  }
0xb2: {  	s29 =	simm.s32 $0x9;
	_ =	strace $0x80000048  }
0xb3: {  	_ =	swait.ge [sflag:s29], $0x1  }
0xb4: {  	[sflag:s29] =	ssyncadd.s32 $0xFFFFFFFF  }
0xb5: {  	_ =	strace $0x90000048  }
0xb6: {  	_ =	sfence  }
0xb7: {  	s30 =	sld [smem:$0x0];
	_ =	sdelay $0x2  }
0xb8: {  	s31 =	sshll.u32 s1, $0xD;
	s1 =	sshrl.u32 s1, $0x2  }
0xb9: {  	s3 =	sand.u32 $0x4000, s31;
	s1 =	sadd.s32 s1, s30  }
0xba: {  	s0 =	sor.u32 s3, s0;
	s1 =	sshll.u32 s1, $0x11  }
0xbb: {  	s0 =	sor.u32 s1, s0  }
0xbc: {  	s0 =	sadd.s32 $0x8F2B, s0  }
0xbd: {  	[sflag:s0] =	ssyncadd.remote.s32 $0x1  }
0xbe: {  	_ =	sfence.sel $0xFFFF  }
0xbf: {  	[dreg:$0x0] =	wrdreg $0xFFFFFFFF;
	(pc) =	sbr.abs _section_cstart, $3  }
0xc0: {  	[dreg:$0x1] =	wrdreg $0xFFFFFFFF  }
0xc1: {  	_ =	task.clear_ibuf [dreg:s7], $0x2FFFF;
	_ =	strace $0x9FFFFFFF  }
0xc2: {  	(tm) =	ssettm $0x7FFFFFFF  }
0xc3: {  	_ =	shalt  }
tec
execute0_lowered:
.L_overlay_start_1:
0x0: {  	(tag) =	ssettag $0x1  }
0x1: {  	s1 =	srdreg.scid;
	s0 =	stileid.u32  }
0x2: {  	s1 =	sand.u32 $0x1, s1;
	s2 =	sshll.u32 s0, $0x1  }
0x3: {  	s3 =	sor.u32 s1, s2  }
0x4: {  	s6 =	smul.u32 $0x680, s3  }
0x5: {  	s4 =	rddreg [dreg:$0x0];
	s2 =	simm.s32 $0x0;
	s7 =	smul.u32 $0x68000, s3  }
0x6: {  	[smem:$0x7FF] =	sst s2;
	s3 =	smul.u32 $0xD000, s3  }
0x7: {  	s5 =	rddreg [dreg:$0x1];
	_ =	strace $0x80000047  }
0x8: {  	s6 =	sadd.s32 s6, s4;
	s7 =	sshrl.u32 s7, $0x3;
	s3 =	sadd.s32 s5, s3  }
0x9: {  	s6 =	sadd.s32 $0xA00, s6;
	s31 =	sadd.s32 s5, s7;
	[dreg:$0x4] =	wrdreg s3  }
0xa: {  	[dreg:$0x3] =	wrdreg s6;
	s19 =	sadd.s32 $0x1000, s31  }
0xb: {  	s20 =	sadd.s32 $0x2000, s31;
	[dreg:$0x5] =	wrdreg s19  }
0xc: {  	s21 =	sadd.s32 $0x3000, s31;
	[dreg:$0x6] =	wrdreg s20  }
0xd: {  	s22 =	sadd.s32 $0x4000, s31;
	[dreg:$0x7] =	wrdreg s21  }
0xe: {  	s23 =	sadd.s32 $0x5000, s31;
	[dreg:$0x8] =	wrdreg s22  }
0xf: {  	[dreg:$0x9] =	wrdreg s23  }
0x10: {  	s24 =	sadd.s32 $0x6000, s31;
	s25 =	rddreg [dreg:$0x3]  }
0x11: {  	s26 =	sadd.s32 $0x7000, s31;
	[dreg:$0xa] =	wrdreg s24  }
0x12: {  	s3 =	simm.s32 $0x7;
	[dreg:$0xb] =	wrdreg s26  }
0x13: {  	[tilespmem:s2], [sflag:$0x7] =	stream.linear.gather [hbm4b:s25+s2], $0x3400, $0x38;
	[tilespmem:$0x1B400] =	vst v63  }
0x14: {  	_ =	swait.ge [sflag:s3], $0x3400  }
0x15: {  	s4 =	sadd.s32 $0xF42E00, s4;
	[sflag:s3] =	ssyncset.done $0x0  }
0x16: {  	s5 =	simm.s32 $0x400;
	s6 =	simm.s32 $0x3400;
	[sflag:s3] =	ssyncadd.s32 $0xFFFFCC00  }
0x17: {  	[tilespmem:s6], [sflag:$0x1] =	stream.indirect.gather [hbm4b:s4+s5], $0x20, s2, s5, $0xb8;
	[tilespmem:$0x1B400] =	vst v63  }
0x18: {  	s7 =	simm.s32 $0xB400  }
0x19: {  	[tilespmem:s7], [sflag:$0x2] =	stream.indirect.gather [hbm4b:s4+s5], $0x20, s5, s5, $0xb8;
	[tilespmem:$0x1B400] =	vst v63  }
0x1a: {  	s8 =	simm.s32 $0x800;
	s9 =	simm.s32 $0x13400;
	s10 =	simm.s32 $0x1  }
0x1b: {  	[tilespmem:s9], [sflag:$0x3] =	stream.indirect.gather [hbm4b:s4+s5], $0x20, s8, s5, $0xb8;
	[tilespmem:$0x1B400] =	vst v63  }
0x1c: {  	_ =	swait.ge [sflag:s10], $0x8000  }
0x1d: {  	[sflag:s10] =	ssyncset.done $0x0  }
0x1e: {  	s11 =	simm.s32 $0x4;
	s12 =	rddreg [dreg:$0x4];
	[sflag:s10] =	ssyncadd.s32 $0xFFFF8000  }
0x1f: {  	[hbm4b:s12+s2] =	stream.linear.scatter [tilespmem:s6], [sflag:$0x4], $0x8000, $0x38;
	[tilespmem:$0x1B400] =	vst v63  }
0x20: {  	_ =	swait.ge [sflag:s11], $0x8000  }
0x21: {  	[sflag:s11] =	ssyncset.done $0x0  }
0x22: {  	s13 =	simm.s32 $0x2;
	s12 =	simm.s32 $0xC00;
	[sflag:s11] =	ssyncadd.s32 $0xFFFF8000  }
0x23: {  	[tilespmem:s6], [sflag:$0x1] =	stream.indirect.gather [hbm4b:s4+s5], $0x20, s12, s5, $0xb8;
	[tilespmem:$0x1B400] =	vst v63  }
0x24: {  	_ =	swait.ge [sflag:s13], $0x8000  }
0x25: {  	[sflag:s13] =	ssyncset.done $0x0  }
0x26: {  	s14 =	simm.s32 $0x5;
	s15 =	rddreg [dreg:$0x5];
	[sflag:s13] =	ssyncadd.s32 $0xFFFF8000  }
0x27: {  	[hbm4b:s15+s2] =	stream.linear.scatter [tilespmem:s7], [sflag:$0x5], $0x8000, $0x38;
	[tilespmem:$0x1B400] =	vst v63  }
0x28: {  	_ =	swait.ge [sflag:s14], $0x8000  }
0x29: {  	[sflag:s14] =	ssyncset.done $0x0  }
0x2a: {  	s16 =	simm.s32 $0x3;
	s15 =	simm.s32 $0x1000;
	[sflag:s14] =	ssyncadd.s32 $0xFFFF8000  }
0x2b: {  	[tilespmem:s7], [sflag:$0x2] =	stream.indirect.gather [hbm4b:s4+s5], $0x20, s15, s5, $0xb8;
	[tilespmem:$0x1B400] =	vst v63  }
0x2c: {  	_ =	swait.ge [sflag:s16], $0x8000  }
0x2d: {  	[sflag:s16] =	ssyncset.done $0x0  }
0x2e: {  	s17 =	simm.s32 $0x6;
	s18 =	rddreg [dreg:$0x6];
	[sflag:s16] =	ssyncadd.s32 $0xFFFF8000  }
0x2f: {  	[hbm4b:s18+s2] =	stream.linear.scatter [tilespmem:s9], [sflag:$0x6], $0x8000, $0x38;
	[tilespmem:$0x1B400] =	vst v63  }
0x30: {  	_ =	swait.ge [sflag:s17], $0x8000  }
0x31: {  	[sflag:s17] =	ssyncset.done $0x0  }
0x32: {  	s18 =	simm.s32 $0x1400;
	[sflag:s17] =	ssyncadd.s32 $0xFFFF8000  }
0x33: {  	[tilespmem:s9], [sflag:$0x3] =	stream.indirect.gather [hbm4b:s4+s5], $0x20, s18, s5, $0xb8;
	[tilespmem:$0x1B400] =	vst v63  }
0x34: {  	_ =	swait.ge [sflag:s10], $0x8000  }
0x35: {  	[sflag:s10] =	ssyncset.done $0x0  }
0x36: {  	s19 =	rddreg [dreg:$0x7];
	[sflag:s10] =	ssyncadd.s32 $0xFFFF8000  }
0x37: {  	[hbm4b:s19+s2] =	stream.linear.scatter [tilespmem:s6], [sflag:$0x4], $0x8000, $0x38;
	[tilespmem:$0x1B400] =	vst v63  }
0x38: {  	_ =	swait.ge [sflag:s11], $0x8000  }
0x39: {  	[sflag:s11] =	ssyncset.done $0x0  }
0x3a: {  	s19 =	simm.s32 $0x1800;
	[sflag:s11] =	ssyncadd.s32 $0xFFFF8000  }
0x3b: {  	[tilespmem:s6], [sflag:$0x1] =	stream.indirect.gather [hbm4b:s4+s5], $0x20, s19, s5, $0xb8;
	[tilespmem:$0x1B400] =	vst v63  }
0x3c: {  	_ =	swait.ge [sflag:s13], $0x8000  }
0x3d: {  	[sflag:s13] =	ssyncset.done $0x0  }
0x3e: {  	s20 =	rddreg [dreg:$0x8];
	[sflag:s13] =	ssyncadd.s32 $0xFFFF8000  }
0x3f: {  	[hbm4b:s20+s2] =	stream.linear.scatter [tilespmem:s7], [sflag:$0x5], $0x8000, $0x38;
	[tilespmem:$0x1B400] =	vst v63  }
0x40: {  	_ =	swait.ge [sflag:s14], $0x8000  }
0x41: {  	[sflag:s14] =	ssyncset.done $0x0  }
0x42: {  	s20 =	simm.s32 $0x1C00;
	[sflag:s14] =	ssyncadd.s32 $0xFFFF8000  }
0x43: {  	[tilespmem:s7], [sflag:$0x2] =	stream.indirect.gather [hbm4b:s4+s5], $0x20, s20, s5, $0xb8;
	[tilespmem:$0x1B400] =	vst v63  }
0x44: {  	_ =	swait.ge [sflag:s16], $0x8000  }
0x45: {  	[sflag:s16] =	ssyncset.done $0x0  }
0x46: {  	s21 =	rddreg [dreg:$0x9];
	[sflag:s16] =	ssyncadd.s32 $0xFFFF8000  }
0x47: {  	[hbm4b:s21+s2] =	stream.linear.scatter [tilespmem:s9], [sflag:$0x6], $0x8000, $0x38;
	[tilespmem:$0x1B400] =	vst v63  }
0x48: {  	_ =	swait.ge [sflag:s17], $0x8000  }
0x49: {  	[sflag:s17] =	ssyncset.done $0x0  }
0x4a: {  	s21 =	simm.s32 $0x2000;
	[sflag:s17] =	ssyncadd.s32 $0xFFFF8000  }
0x4b: {  	[tilespmem:s9], [sflag:$0x3] =	stream.indirect.gather [hbm4b:s4+s5], $0x20, s21, s5, $0xb8;
	[tilespmem:$0x1B400] =	vst v63  }
0x4c: {  	_ =	swait.ge [sflag:s10], $0x8000  }
0x4d: {  	[sflag:s10] =	ssyncset.done $0x0  }
0x4e: {  	s22 =	rddreg [dreg:$0xa];
	[sflag:s10] =	ssyncadd.s32 $0xFFFF8000  }
0x4f: {  	[hbm4b:s22+s2] =	stream.linear.scatter [tilespmem:s6], [sflag:$0x4], $0x8000, $0x38;
	[tilespmem:$0x1B400] =	vst v63  }
0x50: {  	_ =	swait.ge [sflag:s11], $0x8000  }
0x51: {  	[sflag:s11] =	ssyncset.done $0x0  }
0x52: {  	s22 =	simm.s32 $0x2400;
	[sflag:s11] =	ssyncadd.s32 $0xFFFF8000  }
0x53: {  	[tilespmem:s6], [sflag:$0x1] =	stream.indirect.gather [hbm4b:s4+s5], $0x20, s22, s5, $0xb8;
	[tilespmem:$0x1B400] =	vst v63  }
0x54: {  	_ =	swait.ge [sflag:s13], $0x8000  }
0x55: {  	[sflag:s13] =	ssyncset.done $0x0  }
0x56: {  	s23 =	rddreg [dreg:$0xb];
	[sflag:s13] =	ssyncadd.s32 $0xFFFF8000  }
0x57: {  	[hbm4b:s23+s2] =	stream.linear.scatter [tilespmem:s7], [sflag:$0x5], $0x8000, $0x38;
	[tilespmem:$0x1B400] =	vst v63  }
0x58: {  	_ =	swait.ge [sflag:s14], $0x8000  }
0x59: {  	[sflag:s14] =	ssyncset.done $0x0  }
0x5a: {  	s23 =	simm.s32 $0x2800;
	[sflag:s14] =	ssyncadd.s32 $0xFFFF8000  }
0x5b: {  	[tilespmem:s7], [sflag:$0x2] =	stream.indirect.gather [hbm4b:s4+s5], $0x20, s23, s5, $0xb8;
	[tilespmem:$0x1B400] =	vst v63  }
0x5c: {  	_ =	swait.ge [sflag:s16], $0x8000  }
0x5d: {  	[sflag:s16] =	ssyncset.done $0x0  }
0x5e: {  	s24 =	sadd.s32 $0x8000, s31;
	[sflag:s16] =	ssyncadd.s32 $0xFFFF8000  }
0x5f: {  	[hbm4b:s24+s2] =	stream.linear.scatter [tilespmem:s9], [sflag:$0x6], $0x8000, $0x38;
	[tilespmem:$0x1B400] =	vst v63  }
0x60: {  	_ =	swait.ge [sflag:s17], $0x8000  }
0x61: {  	[sflag:s17] =	ssyncset.done $0x0  }
0x62: {  	s25 =	simm.s32 $0x2C00;
	[sflag:s17] =	ssyncadd.s32 $0xFFFF8000  }
0x63: {  	[tilespmem:s9], [sflag:$0x3] =	stream.indirect.gather [hbm4b:s4+s5], $0x20, s25, s5, $0xb8;
	[tilespmem:$0x1B400] =	vst v63  }
0x64: {  	_ =	swait.ge [sflag:s10], $0x8000  }
0x65: {  	[sflag:s10] =	ssyncset.done $0x0  }
0x66: {  	s26 =	sadd.s32 $0x9000, s31;
	[sflag:s10] =	ssyncadd.s32 $0xFFFF8000  }
0x67: {  	[hbm4b:s26+s2] =	stream.linear.scatter [tilespmem:s6], [sflag:$0x4], $0x8000, $0x38;
	[tilespmem:$0x1B400] =	vst v63  }
0x68: {  	_ =	swait.ge [sflag:s11], $0x8000  }
0x69: {  	[sflag:s11] =	ssyncset.done $0x0  }
0x6a: {  	s28 =	simm.s32 $0x3000;
	[sflag:s11] =	ssyncadd.s32 $0xFFFF8000  }
0x6b: {  	[tilespmem:s6], [sflag:$0x1] =	stream.indirect.gather [hbm4b:s4+s5], $0x20, s28, s5, $0xb8;
	[tilespmem:$0x1B400] =	vst v63  }
0x6c: {  	_ =	swait.ge [sflag:s13], $0x8000  }
0x6d: {  	[sflag:s13] =	ssyncset.done $0x0  }
0x6e: {  	s29 =	sadd.s32 $0xA000, s31;
	[sflag:s13] =	ssyncadd.s32 $0xFFFF8000  }
0x6f: {  	[hbm4b:s29+s2] =	stream.linear.scatter [tilespmem:s7], [sflag:$0x5], $0x8000, $0x38;
	[tilespmem:$0x1B400] =	vst v63  }
0x70: {  	_ =	swait.ge [sflag:s16], $0x8000  }
0x71: {  	[sflag:s16] =	ssyncset.done $0x0  }
0x72: {  	s30 =	sadd.s32 $0xB000, s31;
	[sflag:s16] =	ssyncadd.s32 $0xFFFF8000  }
0x73: {  	[hbm4b:s30+s2] =	stream.linear.scatter [tilespmem:s9], [sflag:$0x6], $0x8000, $0x38;
	[tilespmem:$0x1B400] =	vst v63  }
0x74: {  	s1 =	ssub.s32 $0x2, s1;
	_ =	swait.ge [sflag:s10], $0x8000  }
0x75: {  	s0 =	sshrl.u32 s1, $0x1;
	[sflag:s10] =	ssyncset.done $0x0  }
0x76: {  	s0 =	ssub.s32 s1, s0;
	s31 =	sadd.s32 $0xC000, s31;
	[sflag:s10] =	ssyncadd.s32 $0xFFFF8000  }
0x77: {  	[hbm4b:s31+s2] =	stream.linear.scatter [tilespmem:s6], [sflag:$0x4], $0x8000, $0x38;
	[tilespmem:$0x1B400] =	vst v63  }
0x78: {  	s0 =	smax.u32 s0, $0x1;
	_ =	swait.ge [sflag:s14], $0x8000  }
0x79: {  	p0 =	sne.s32 s0, $0x1;
	[sflag:s14] =	ssyncset.done $0x0  }
.Ltmp0:
0x7a: {  	[sflag:s14] =	ssyncadd.s32 $0xFFFF8000;
	(pc) =	sbr.rel @!p0 .LBB2_2-.Ltmp0, $4  }
0x7b: {  	_ =	swait.ge [sflag:s17], $0x8000  }
0x7c: {  	[sflag:s17] =	ssyncset.done $0x0  }
0x7d: {  	[sflag:s17] =	ssyncadd.s32 $0xFFFF8000  }
0x7e: {  	s1 =	sadd.s32 $0xFFFFFFFF, s0;
	_ =	swait.ge [sflag:s11], $0x8000  }
.LBB2_1:
0x7f: {  	[sflag:s11] =	ssyncset.done $0x0  }
0x80: {  	s0 =	rddreg [dreg:$0x3];
	[sflag:s11] =	ssyncadd.s32 $0xFFFF8000  }
0x81: {  	[tilespmem:s2], [sflag:$0x7] =	stream.linear.gather [hbm4b:s0+s2], $0x3400, $0x38;
	[tilespmem:$0x1B400] =	vst v63  }
0x82: {  	_ =	swait.ge [sflag:s3], $0x3400  }
0x83: {  	[sflag:s3] =	ssyncset.done $0x0  }
0x84: {  	[sflag:s3] =	ssyncadd.s32 $0xFFFFCC00  }
0x85: {  	[tilespmem:s6], [sflag:$0x1] =	stream.indirect.gather [hbm4b:s4+s5], $0x20, s2, s5, $0xb8;
	[tilespmem:$0x1B400] =	vst v63  }
0x86: {  	_ = 	snop  }
0x87: {  	[tilespmem:s7], [sflag:$0x2] =	stream.indirect.gather [hbm4b:s4+s5], $0x20, s5, s5, $0xb8;
	[tilespmem:$0x1B400] =	vst v63  }
0x88: {  	_ = 	snop  }
0x89: {  	[tilespmem:s9], [sflag:$0x3] =	stream.indirect.gather [hbm4b:s4+s5], $0x20, s8, s5, $0xb8;
	[tilespmem:$0x1B400] =	vst v63  }
0x8a: {  	_ =	swait.ge [sflag:s10], $0x8000  }
0x8b: {  	[sflag:s10] =	ssyncset.done $0x0  }
0x8c: {  	s0 =	rddreg [dreg:$0x4];
	[sflag:s10] =	ssyncadd.s32 $0xFFFF8000  }
0x8d: {  	[hbm4b:s0+s2] =	stream.linear.scatter [tilespmem:s6], [sflag:$0x4], $0x8000, $0x38;
	[tilespmem:$0x1B400] =	vst v63  }
0x8e: {  	_ =	swait.ge [sflag:s11], $0x8000  }
0x8f: {  	[sflag:s11] =	ssyncset.done $0x0  }
0x90: {  	[sflag:s11] =	ssyncadd.s32 $0xFFFF8000  }
0x91: {  	[tilespmem:s6], [sflag:$0x1] =	stream.indirect.gather [hbm4b:s4+s5], $0x20, s12, s5, $0xb8;
	[tilespmem:$0x1B400] =	vst v63  }
0x92: {  	_ =	swait.ge [sflag:s13], $0x8000  }
0x93: {  	[sflag:s13] =	ssyncset.done $0x0  }
0x94: {  	s0 =	rddreg [dreg:$0x5];
	[sflag:s13] =	ssyncadd.s32 $0xFFFF8000  }
0x95: {  	[hbm4b:s0+s2] =	stream.linear.scatter [tilespmem:s7], [sflag:$0x5], $0x8000, $0x38;
	[tilespmem:$0x1B400] =	vst v63  }
0x96: {  	_ =	swait.ge [sflag:s14], $0x8000  }
0x97: {  	[sflag:s14] =	ssyncset.done $0x0  }
0x98: {  	[sflag:s14] =	ssyncadd.s32 $0xFFFF8000  }
0x99: {  	[tilespmem:s7], [sflag:$0x2] =	stream.indirect.gather [hbm4b:s4+s5], $0x20, s15, s5, $0xb8;
	[tilespmem:$0x1B400] =	vst v63  }
0x9a: {  	_ =	swait.ge [sflag:s16], $0x8000  }
0x9b: {  	[sflag:s16] =	ssyncset.done $0x0  }
0x9c: {  	s0 =	rddreg [dreg:$0x6];
	[sflag:s16] =	ssyncadd.s32 $0xFFFF8000  }
0x9d: {  	[hbm4b:s0+s2] =	stream.linear.scatter [tilespmem:s9], [sflag:$0x6], $0x8000, $0x38;
	[tilespmem:$0x1B400] =	vst v63  }
0x9e: {  	_ =	swait.ge [sflag:s17], $0x8000  }
0x9f: {  	[sflag:s17] =	ssyncset.done $0x0  }
0xa0: {  	[sflag:s17] =	ssyncadd.s32 $0xFFFF8000  }
0xa1: {  	[tilespmem:s9], [sflag:$0x3] =	stream.indirect.gather [hbm4b:s4+s5], $0x20, s18, s5, $0xb8;
	[tilespmem:$0x1B400] =	vst v63  }
0xa2: {  	_ =	swait.ge [sflag:s10], $0x8000  }
0xa3: {  	[sflag:s10] =	ssyncset.done $0x0  }
0xa4: {  	s0 =	rddreg [dreg:$0x7];
	[sflag:s10] =	ssyncadd.s32 $0xFFFF8000  }
0xa5: {  	[hbm4b:s0+s2] =	stream.linear.scatter [tilespmem:s6], [sflag:$0x4], $0x8000, $0x38;
	[tilespmem:$0x1B400] =	vst v63  }
0xa6: {  	_ =	swait.ge [sflag:s11], $0x8000  }
0xa7: {  	[sflag:s11] =	ssyncset.done $0x0  }
0xa8: {  	[sflag:s11] =	ssyncadd.s32 $0xFFFF8000  }
0xa9: {  	[tilespmem:s6], [sflag:$0x1] =	stream.indirect.gather [hbm4b:s4+s5], $0x20, s19, s5, $0xb8;
	[tilespmem:$0x1B400] =	vst v63  }
0xaa: {  	_ =	swait.ge [sflag:s13], $0x8000  }
0xab: {  	[sflag:s13] =	ssyncset.done $0x0  }
0xac: {  	s0 =	rddreg [dreg:$0x8];
	[sflag:s13] =	ssyncadd.s32 $0xFFFF8000  }
0xad: {  	[hbm4b:s0+s2] =	stream.linear.scatter [tilespmem:s7], [sflag:$0x5], $0x8000, $0x38;
	[tilespmem:$0x1B400] =	vst v63  }
0xae: {  	_ =	swait.ge [sflag:s14], $0x8000  }
0xaf: {  	[sflag:s14] =	ssyncset.done $0x0  }
0xb0: {  	[sflag:s14] =	ssyncadd.s32 $0xFFFF8000  }
0xb1: {  	[tilespmem:s7], [sflag:$0x2] =	stream.indirect.gather [hbm4b:s4+s5], $0x20, s20, s5, $0xb8;
	[tilespmem:$0x1B400] =	vst v63  }
0xb2: {  	_ =	swait.ge [sflag:s16], $0x8000  }
0xb3: {  	[sflag:s16] =	ssyncset.done $0x0  }
0xb4: {  	s0 =	rddreg [dreg:$0x9];
	[sflag:s16] =	ssyncadd.s32 $0xFFFF8000  }
0xb5: {  	[hbm4b:s0+s2] =	stream.linear.scatter [tilespmem:s9], [sflag:$0x6], $0x8000, $0x38;
	[tilespmem:$0x1B400] =	vst v63  }
0xb6: {  	_ =	swait.ge [sflag:s17], $0x8000  }
0xb7: {  	[sflag:s17] =	ssyncset.done $0x0  }
0xb8: {  	[sflag:s17] =	ssyncadd.s32 $0xFFFF8000  }
0xb9: {  	[tilespmem:s9], [sflag:$0x3] =	stream.indirect.gather [hbm4b:s4+s5], $0x20, s21, s5, $0xb8;
	[tilespmem:$0x1B400] =	vst v63  }
0xba: {  	_ =	swait.ge [sflag:s10], $0x8000  }
0xbb: {  	[sflag:s10] =	ssyncset.done $0x0  }
0xbc: {  	s0 =	rddreg [dreg:$0xa];
	[sflag:s10] =	ssyncadd.s32 $0xFFFF8000  }
0xbd: {  	[hbm4b:s0+s2] =	stream.linear.scatter [tilespmem:s6], [sflag:$0x4], $0x8000, $0x38;
	[tilespmem:$0x1B400] =	vst v63  }
0xbe: {  	_ =	swait.ge [sflag:s11], $0x8000  }
0xbf: {  	[sflag:s11] =	ssyncset.done $0x0  }
0xc0: {  	[sflag:s11] =	ssyncadd.s32 $0xFFFF8000  }
0xc1: {  	[tilespmem:s6], [sflag:$0x1] =	stream.indirect.gather [hbm4b:s4+s5], $0x20, s22, s5, $0xb8;
	[tilespmem:$0x1B400] =	vst v63  }
0xc2: {  	_ =	swait.ge [sflag:s13], $0x8000  }
0xc3: {  	[sflag:s13] =	ssyncset.done $0x0  }
0xc4: {  	s0 =	rddreg [dreg:$0xb];
	[sflag:s13] =	ssyncadd.s32 $0xFFFF8000  }
0xc5: {  	[hbm4b:s0+s2] =	stream.linear.scatter [tilespmem:s7], [sflag:$0x5], $0x8000, $0x38;
	[tilespmem:$0x1B400] =	vst v63  }
0xc6: {  	_ =	swait.ge [sflag:s14], $0x8000  }
0xc7: {  	[sflag:s14] =	ssyncset.done $0x0  }
0xc8: {  	[sflag:s14] =	ssyncadd.s32 $0xFFFF8000  }
0xc9: {  	[tilespmem:s7], [sflag:$0x2] =	stream.indirect.gather [hbm4b:s4+s5], $0x20, s23, s5, $0xb8;
	[tilespmem:$0x1B400] =	vst v63  }
0xca: {  	_ =	swait.ge [sflag:s16], $0x8000  }
0xcb: {  	[sflag:s16] =	ssyncset.done $0x0  }
0xcc: {  	[sflag:s16] =	ssyncadd.s32 $0xFFFF8000  }
0xcd: {  	[hbm4b:s24+s2] =	stream.linear.scatter [tilespmem:s9], [sflag:$0x6], $0x8000, $0x38;
	[tilespmem:$0x1B400] =	vst v63  }
0xce: {  	_ =	swait.ge [sflag:s17], $0x8000  }
0xcf: {  	[sflag:s17] =	ssyncset.done $0x0  }
0xd0: {  	[sflag:s17] =	ssyncadd.s32 $0xFFFF8000  }
0xd1: {  	[tilespmem:s9], [sflag:$0x3] =	stream.indirect.gather [hbm4b:s4+s5], $0x20, s25, s5, $0xb8;
	[tilespmem:$0x1B400] =	vst v63  }
0xd2: {  	_ =	swait.ge [sflag:s10], $0x8000  }
0xd3: {  	[sflag:s10] =	ssyncset.done $0x0  }
0xd4: {  	[sflag:s10] =	ssyncadd.s32 $0xFFFF8000  }
0xd5: {  	[hbm4b:s26+s2] =	stream.linear.scatter [tilespmem:s6], [sflag:$0x4], $0x8000, $0x38;
	[tilespmem:$0x1B400] =	vst v63  }
0xd6: {  	_ =	swait.ge [sflag:s11], $0x8000  }
0xd7: {  	[sflag:s11] =	ssyncset.done $0x0  }
0xd8: {  	[sflag:s11] =	ssyncadd.s32 $0xFFFF8000  }
0xd9: {  	[tilespmem:s6], [sflag:$0x1] =	stream.indirect.gather [hbm4b:s4+s5], $0x20, s28, s5, $0xb8;
	[tilespmem:$0x1B400] =	vst v63  }
0xda: {  	_ =	swait.ge [sflag:s13], $0x8000  }
0xdb: {  	[sflag:s13] =	ssyncset.done $0x0  }
0xdc: {  	[sflag:s13] =	ssyncadd.s32 $0xFFFF8000  }
0xdd: {  	[hbm4b:s29+s2] =	stream.linear.scatter [tilespmem:s7], [sflag:$0x5], $0x8000, $0x38;
	[tilespmem:$0x1B400] =	vst v63  }
0xde: {  	_ =	swait.ge [sflag:s16], $0x8000  }
0xdf: {  	[sflag:s16] =	ssyncset.done $0x0  }
0xe0: {  	[sflag:s16] =	ssyncadd.s32 $0xFFFF8000  }
0xe1: {  	[hbm4b:s30+s2] =	stream.linear.scatter [tilespmem:s9], [sflag:$0x6], $0x8000, $0x38;
	[tilespmem:$0x1B400] =	vst v63  }
0xe2: {  	_ =	swait.ge [sflag:s10], $0x8000  }
0xe3: {  	[sflag:s10] =	ssyncset.done $0x0  }
0xe4: {  	[sflag:s10] =	ssyncadd.s32 $0xFFFF8000  }
0xe5: {  	[hbm4b:s31+s2] =	stream.linear.scatter [tilespmem:s6], [sflag:$0x4], $0x8000, $0x38;
	[tilespmem:$0x1B400] =	vst v63  }
0xe6: {  	_ =	swait.ge [sflag:s14], $0x8000  }
0xe7: {  	p0 =	sne.s32 s1, $0x1;
	[sflag:s14] =	ssyncset.done $0x0  }
.Ltmp1:
0xe8: {  	[sflag:s14] =	ssyncadd.s32 $0xFFFF8000;
	(pc) =	sbr.rel @p0 .LBB2_1-.Ltmp1, $4  }
0xe9: {  	_ =	swait.ge [sflag:s17], $0x8000  }
0xea: {  	[sflag:s17] =	ssyncset.done $0x0  }
0xeb: {  	[sflag:s17] =	ssyncadd.s32 $0xFFFF8000  }
0xec: {  	s1 =	sadd.s32 $0xFFFFFFFF, s1;
	_ =	swait.ge [sflag:s11], $0x8000  }
.LBB2_2:
0xed: {  	[sflag:s11] =	ssyncset.done $0x0  }
0xee: {  	[sflag:s11] =	ssyncadd.s32 $0xFFFF8000  }
0xef: {  	_ =	sfence.sel $0x180000  }
0xf0: {  	[bflag:$0x0] =	sbarrier.arrive $0xFFFF  }
0xf1: {  	_ =	strace $0x90000047  }
0xf2: {  	s0 =	stileid.u32;
	[bflag:$0x2] =	sbarrier.arrive $0xFFFF  }
0xf3: {  	p0 =	sne.s32 s0, $0x0;
	s0 =	rddreg [dreg:$0x2]  }
0xf4: {  	s0 =	sadd.s32 @!p0 $0x100000, s0  }
0xf5: {  	[sflag:s0] =	ssyncadd.tile.s32 @!p0 $0x1;
	_ =	shalt  }
.Lfunc_end2:
_tile_overlayer_lowered:
.L_overlay_start_2:
0xf6: {  	(tag) =	ssettag $0x2  }
0xf7: {  	s0 =	rddreg [dreg:$0x0];
	s2 =	stileid.u32  }
0xf8: {  	s1 =	rddreg [dreg:$0x1];
	p0 =	sne.s32 s2, $0x0  }
0xf9: {  	s3 =	rddreg [dreg:$0x2];
	[bflag:$0x3] =	sbarrier.arrive $0xFFFF;
	s2 =	simm.s32 @!p0 $0x1C07  }
0xfa: {  	[timem:s3], [sflag:s2] =	dma.local @!p0 [hbm:s0], s1  }
0xfb: {  	s0 =	simm.s32 @!p0 $0x7  }
0xfc: {  	_ =	swait.ge @!p0 [sflag:s0], s1  }
0xfd: {  	s1 =	ssub.s32 @!p0 $0x0, s1;
	[sflag:s0] =	ssyncset.done @!p0 $0x0  }
0xfe: {  	[sflag:s0] =	ssyncadd.s32 @!p0 s1  }
0xff: {  	[bflag:$0x3] =	sbarrier.arrive $0xFFFF  }
0x100: {  	_ =	shalt  }

// kernel: sparse-core-data-format-call.cloned.1.call-start
scs
called_computation_lowered:
.L_overlay_start_0:
0x0: {  	s2 =	sld [smem:$0x3FD9]  }
0x1: {  	s3 =	sld [smem:$0x3FFE];
	_ =	sdelay $0x1  }
0x2: {  	s1 =	srdreg.scid  }
0x3: {  	s0 =	sand.u32 $0x1, s1  }
0x4: {  	s18 =	sshll.u32 s0, $0xA;
	s2 =	sadd.s32 s3, s2  }
0x5: {  	s2 =	sadd.s32 s2, s18  }
0x6: {  	[smem:$0x3FC6] =	sst s2  }
0x7: {  	_ = 	snop  }
0x8: {  	s2 =	sld [smem:$0x3FD0];
	(tm) =	ssettm $0x1  }
0x9: {  	s19 =	sld [smem:$0x3FFB];
	_ =	sdelay $0x3  }
0xa: {  	_ =	strace s19  }
0xb: {  	s3 =	sld [smem:$0x3FFC];
	_ =	sdelay $0x3  }
0xc: {  	_ =	strace s3  }
0xd: {  	s3 =	sld [smem:$0x3FFD];
	_ =	sdelay $0x3  }
0xe: {  	_ =	strace s3  }
0xf: {  	_ =	strace $0x8FFFFFFF  }
0x10: {  	s20 =	sld [smem:$0x3FDB];
	_ =	sdelay $0x1  }
0x11: {  	s4 =	simm.s32 $_scs_section_size  }
0x12: {  	s5 =	simm.s32 $_size__tile_overlayer_lowered;
	s6 =	simm.s32 $_tile_overlayer_lowered  }
0x13: {  	s23 =	simm.s32 $0x1BFF;
	s22 =	sshll.u32 s6, $0x1;
	s3 =	sadd.s32 s4, s20  }
0x14: {  	s7 =	simm.s32 $0x0;
	s21 =	sshll.u32 s5, $0x1;
	s5 =	sadd.s32 s22, s3  }
0x15: {  	[timem:s7], [sflag:s23] =	dma.local [hbm:s5], s21  }
0x16: {  	_ =	swait.ge [sflag:s23], s21  }
0x17: {  	s4 =	ssub.s32 $0x0, s21;
	[sflag:s23] =	ssyncset.done $0x0  }
0x18: {  	[sflag:s23] =	ssyncadd.s32 s4;
	_ =	sdelay $0x1  }
0x19: {  	s24 =	simm.s32 $0x1B8B  }
0x1a: {  	_ =	swait.ge [sflag:s24], $0x1  }
0x1b: {  	[sflag:s24] =	ssyncset.done $0x0  }
0x1c: {  	s26 =	simm.s32 $0x1B8E;
	s25 =	sld [smem:$0x3FFE];
	[sflag:s24] =	ssyncadd.s32 $0xFFFFFFFF  }
0x1d: {  	s27 =	simm.s32 $execute0_lowered;
	[smem:$0x3FD2] =	sst s26  }
0x1e: {  	s5 =	sshll.u32 s27, $0x1;
	_ =	strace $0x80000049;
	[dreg:$0x1] =	wrdreg $0xFFFFFFFF  }
0x1f: {  	s28 =	simm.s32 $_size_execute0_lowered;
	s3 =	sadd.s32 s3, s5;
	[dreg:$0x0] =	wrdreg $0x0  }
0x20: {  	s5 =	sshll.u32 s28, $0x1;
	[dreg:$0x2] =	wrdreg s3  }
0x21: {  	[dreg:$0x3] =	wrdreg s5  }
0x22: {  	[dreg:$0x4] =	wrdreg $0xC0  }
0x23: {  	_ =	task [dreg:s7], $0x5FFFF  }
0x24: {  	[dreg:$0x1] =	wrdreg $0xFFFFFFFF  }
0x25: {  	[dreg:$0x0] =	wrdreg $0x60  }
0x26: {  	[dreg:$0x2] =	wrdreg s25  }
0x27: {  	[dreg:$0x3] =	wrdreg s2  }
0x28: {  	[dreg:$0x4] =	wrdreg $0x9  }
0x29: {  	_ =	task.clear_ibuf [dreg:s7], $0x5FFFF;
	_ =	strace $0x90000049  }
0x2a: {  	s29 =	simm.s32 $0x9;
	_ =	strace $0x8000004B  }
0x2b: {  	_ =	swait.ge [sflag:s29], $0x1  }
0x2c: {  	[sflag:s29] =	ssyncadd.s32 $0xFFFFFFFF  }
0x2d: {  	_ =	strace $0x9000004B  }
0x2e: {  	_ =	sfence  }
0x2f: {  	s30 =	sld [smem:$0x0];
	_ =	sdelay $0x2  }
0x30: {  	s31 =	sshll.u32 s1, $0xD;
	s1 =	sshrl.u32 s1, $0x2  }
0x31: {  	s3 =	sand.u32 $0x4000, s31;
	s1 =	sadd.s32 s1, s30  }
0x32: {  	s0 =	sor.u32 s3, s0;
	s1 =	sshll.u32 s1, $0x11  }
0x33: {  	s0 =	sor.u32 s1, s0  }
0x34: {  	s0 =	sadd.s32 $0x8F2B, s0  }
0x35: {  	[sflag:s0] =	ssyncadd.remote.s32 $0x1  }
0x36: {  	_ =	sfence.sel $0xFFFF  }
0x37: {  	[dreg:$0x0] =	wrdreg $0xFFFFFFFF;
	(pc) =	sbr.abs _section_cstart, $3  }
0x38: {  	[dreg:$0x1] =	wrdreg $0xFFFFFFFF  }
0x39: {  	_ =	task.clear_ibuf [dreg:s7], $0x2FFFF;
	_ =	strace $0x9FFFFFFF  }
0x3a: {  	(tm) =	ssettm $0x7FFFFFFF  }
0x3b: {  	_ =	shalt  }
tec
execute0_lowered:
.L_overlay_start_1:
0x0: {  	(tag) =	ssettag $0x1  }
0x1: {  	s0 =	srdreg.scid  }
0x2: {  	s1 =	sshll.u32 s0, $0x4  }
0x3: {  	s0 =	stileid.u32;
	s1 =	sand.u32 $0x10, s1  }
0x4: {  	s1 =	sor.u32 s0, s1  }
0x5: {  	s6 =	rddreg [dreg:$0x0];
	s4 =	simm.s32 $0x1;
	s2 =	sshll.u32 s1, $0x7  }
0x6: {  	s7 =	simm.s32 $0x2;
	s12 =	simm.s32 $0x0;
	s1 =	ssub.s32 $0x4000, s2  }
0x7: {  	s8 =	simm.s32 $0x20000;
	s13 =	simm.s32 $0x0;
	s3 =	sand.u32 $0xF80, s1  }
0x8: {  	s9 =	simm.s32 $0x0;
	s5 =	sshrl.u32 s1, $0xC;
	p0 =	sne.s32 s3, $0x0  }
.Ltmp0:
0x9: {  	s1 =	rddreg [dreg:$0x2];
	s4 =	simm.s32 @!p0 $0x0;
	(pc) =	sbr.rel .LBB1_1-.Ltmp0, $4  }
0xa: {  	s11 =	simm.s32 $0x0;
	s3 =	rddreg [dreg:$0x1];
	s5 =	sadd.s32 s4, s5  }
0xb: {  	_ =	strace $0x8000004A;
	s4 =	simm.s32 $0x1;
	s5 =	smul.u32 $0x1A, s5  }
0xc: {  	s6 =	sadd.s32 $0xA00, s6;
	s10 =	smov.u32 s2;
	[sflag:s4] =	ssyncpa.u1 $0x0  }
0xd: {  	p0 =	por $0x0, $0x0;
	[sflag:s7] =	ssyncpa.u1 $0x0;
	s7 =	sor.u32 $0x1, s5  }
.LBB1_4:
0xe: {  	s16 =	sshll.u32 s13, $0x3;
	s17 =	sand.u32 $0x78, s13  }
0xf: {  	s30 =	sand.u32 $0xF800, s13;
	s12 =	sshll.u32 s12, $0x10;
	s16 =	sand.u32 $0x3C00, s16  }
0x10: {  	s31 =	sand.u32 $0x7, s13;
	s16 =	sor.u32 s17, s16;
	s17 =	sadd.s32 s3, s30  }
0x11: {  	s13 =	sshll.u32 s31, $0x12;
	s16 =	sshrl.u32 s16, $0x3;
	s12 =	sadd.s32 s12, s17  }
0x12: {  	[tilespmem:s15+$0x0 ss:$0x81] =	vst.msk $0xffff, v0;
	s13 =	sor.u32 $0x400, s13;
	s12 =	sadd.s32 s16, s12  }
0x13: {  	[hbm4b:s12+s13] =	stream.strided.scatter [tilespmem:s14], [sflag:$0x2], $0x1000, s8, s13, $0x20;
	[tilespmem:$0x4040] =	vst v63  }
.LBB1_5:
0x14: {  	s14 =	sadd.s32 $0x1, s9  }
0x15: {  	s12 =	sadd.s32 $0x1000, s10;
	s16 =	smov.u32 s10;
	p2 =	sgt.s32 s14, $0x19  }
0x16: {  	s16 =	smov.u32 @p2 s12  }
0x17: {  	s14 =	simm.s32 @p2 $0x0;
	p2 =	sgt.s32 s16, $0x3FFF  }
0x18: {  	s16 =	smov.u32 @p2 s2;
	p2 =	sne.s32 s11, s7  }
.Ltmp1:
0x19: {  	p1 =	slt.u32 s11, $0x2;
	(pc) =	sbr.rel @!p2 .LBB1_6-.Ltmp1, $4  }
0x1a: {  	s15 =	simm.s32 @!p1 $0x2  }
0x1b: {  	s13 =	smov.u32 s10;
	p0 =	por !p0, !p0;
	_ =	swait.ge @!p1 [sflag:s15], $0x1000  }
0x1c: {  	s12 =	smov.u32 s9;
	[sflag:s15] =	ssyncset.done @!p1 $0x0;
	s9 =	smov.u32 s14  }
0x1d: {  	s11 =	sadd.s32 $0x1, s11;
	[sflag:s15] =	ssyncadd.s32 @!p1 $0xFFFFF000;
	s10 =	smov.u32 s16  }
.LBB1_1:
0x1e: {  	p1 =	sge.u32 s11, s5  }
0x1f: {  	s31 =	sadd.s32 $0xFFFFFFFF, s11;
	s14 =	sxor.u32 @!p1 $0xFFFFFFFF, s11  }
0x20: {  	s15 =	sshll.u32 @!p1 s10, $0x9;
	s16 =	sshll.u32 @!p1 s9, $0x4;
	s17 =	simm.s32 @!p1 $0x1000  }
0x21: {  	s14 =	sshll.u32 @!p1 s14, $0xC;
	s16 =	sand.u32 @!p1 $0x1F0, s16;
	s15 =	sadd.s32 @!p1 s6, s15  }
0x22: {  	s14 =	sand.u32 @!p1 $0x1000, s14;
	s15 =	sadd.s32 @!p1 s16, s15;
	s16 =	simm.s32 @!p1 $0x20  }
0x23: {  	[tilespmem:s14], [sflag:$0x1] =	stream.strided.gather @!p1 [hbm4b:s15+s16], $0x1000, s17, s16, $0x38;
	[tilespmem:$0x4040] =	vst v63  }
0x24: {  	p1 =	sge.u32 s31, s5  }
.Ltmp2:
0x25: {  	_ = 	snop;
	(pc) =	sbr.rel @p1 .LBB1_5-.Ltmp2, $1  }
0x26: {  	_ =	sdelay $0x3  }
0x27: {  	s14 =	simm.s32 $0x1  }
0x28: {  	_ =	swait.ge [sflag:s4], $0x1000;
	s14 =	simm.s32 @!p0 $0x0  }
0x29: {  	[sflag:s4] =	ssyncset.done $0x0;
	s15 =	sshll.u32 s14, $0xC  }
0x2a: {  	[sflag:s4] =	ssyncadd.s32 $0xFFFFF000;
	s18 =	sor.u32 $0x10, s15  }
0x2b: {  	s14 =	smul.u32 $0x4080, s14;
	v1 =	vld [tilespmem:s18+$0x0]  }
0x2c: {  	s30 =	sand.u32 $0x1, s11;
	v0 =	vld [tilespmem:s18+$0xFFFFFFF0]  }
0x2d: {  	s15 =	smul.u32 $0x4080, s30;
	s14 =	sshrl.u32 s14, $0x2  }
0x2e: {  	s16 =	sor.u32 $0x2000, s14  }
0x2f: {  	s31 =	sshrl.u32 s15, $0x2;
	s15 =	sadd.s32 $0x0, s16  }
0x30: {  	s17 =	simm.s32 $0x4;
	s18 =	sadd.s32 $0x20, s18;
	s14 =	sor.u32 $0x2000, s31;
	[tilespmem:s15+$0x810 ss:$0x81] =	vst.msk $0xffff, v1  }
.LBB1_3:
0x31: {  	v1 =	vld [tilespmem:s18+$0x0];
	p1 =	sne.s32 s17, $0x1FC;
	[tilespmem:s15+$0x0 ss:$0x81] =	vst.msk $0xffff, v0;
	s15 =	smov.u32 s17;
	s17 =	sadd.s32 $0x4, s17  }
.Ltmp3:
0x32: {  	v0 =	vld [tilespmem:s18+$0xFFFFFFF0];
	(pc) =	sbr.rel @p1 .LBB1_3-.Ltmp3, $4  }
0x33: {  	_ = 	snop  }
0x34: {  	s15 =	sshra.s32 s15, $0x2  }
0x35: {  	s15 =	sadd.s32 s15, s16  }
0x36: {  	s18 =	sadd.s32 $0x20, s18;
	[tilespmem:s15+$0x810 ss:$0x81] =	vst.msk $0xffff, v1  }
.Ltmp4:
0x37: {  	_ = 	snop;
	(pc) =	sbr.rel .LBB1_4-.Ltmp4, $1  }
0x38: {  	_ =	sdelay $0x3  }
.LBB1_6:
0x39: {  	_ =	sfence.sel $0x180000  }
0x3a: {  	s2 =	simm.s32 $0x1;
	[bflag:$0x0] =	sbarrier.arrive $0xFFFF  }
0x3b: {  	s31 =	simm.s32 $0x2;
	[sflag:s2] =	ssyncpa.u1 $0x1  }
0x3c: {  	[sflag:s31] =	ssyncpa.u1 $0x1  }
0x3d: {  	p0 =	sne.s32 s0, $0x0;
	_ =	strace $0x9000004A  }
0x3e: {  	s0 =	sadd.s32 @!p0 $0x100000, s1;
	[bflag:$0x2] =	sbarrier.arrive $0xFFFF  }
0x3f: {  	[sflag:s0] =	ssyncadd.tile.s32 @!p0 $0x1;
	_ =	shalt  }
.Lfunc_end1:
_tile_overlayer_lowered:
.L_overlay_start_2:
0x40: {  	(tag) =	ssettag $0x2  }
0x41: {  	s0 =	rddreg [dreg:$0x0];
	s2 =	stileid.u32  }
0x42: {  	s1 =	rddreg [dreg:$0x1];
	p0 =	sne.s32 s2, $0x0  }
0x43: {  	s3 =	rddreg [dreg:$0x2];
	[bflag:$0x3] =	sbarrier.arrive $0xFFFF;
	s2 =	simm.s32 @!p0 $0x1C01  }
0x44: {  	[timem:s3], [sflag:s2] =	dma.local @!p0 [hbm:s0], s1  }
0x45: {  	s0 =	simm.s32 @!p0 $0x1  }
0x46: {  	_ =	swait.ge @!p0 [sflag:s0], s1  }
0x47: {  	s1 =	ssub.s32 @!p0 $0x0, s1;
	[sflag:s0] =	ssyncset.done @!p0 $0x0  }
0x48: {  	[sflag:s0] =	ssyncadd.s32 @!p0 s1  }
0x49: {  	[bflag:$0x3] =	sbarrier.arrive $0xFFFF  }
0x4a: {  	_ =	shalt  }

</sc_bundles>
